<compile_context>
chip_gen: v7x
topology: tpu7x:2x2x1
jax: 0.10.2.dev20260603
libtpu: 0.0.44.dev20260713+nightly
codegen_flags: <defaults>
</compile_context>

<pallas_src>
import jax
import jax.numpy as jnp
from jax import lax
from jax.experimental import pallas as pl
from jax.experimental.pallas import tpu as pltpu
from jax.experimental.pallas import tpu_sc as plsc

VOCAB = 100000
EMBED_DIM = 128
N_CTX = 16
B = 1024
L = 200

_NC = 2
_NS = 16
_NW = _NC * _NS
_BPW = B // _NW

_G0_OFF, _G0_LEN = 16, 96
_G1_OFF, _G1_LEN = 112, 88


_NBUF = 4


def _sc_embed(ids_hbm, base_hbm, tok_hbm, out_hbm,
              idx_v, w_all, base_sh, isems, gsems, osems):
  sid = lax.axis_index("s")
  wid = sid * _NC + lax.axis_index("c")
  base_b = wid * _BPW
  my_base = base_sh

  @pl.when(sid == 0)
  def _():
    pltpu.sync_copy(base_hbm, my_base)

  pltpu.sync_copy(ids_hbm.at[pl.ds(base_b * L, _BPW * L)], idx_v)
  plsc.subcore_barrier()

  for s in range(_NBUF):
    pltpu.sync_copy(my_base.at[pl.ds(0, N_CTX)],
                    w_all.at[s, pl.ds(0, N_CTX)])

  def start_init(t, s):
    return pltpu.async_copy(
        my_base.at[pl.ds(N_CTX, L - N_CTX)],
        w_all.at[s, pl.ds(N_CTX, L - N_CTX)], isems.at[s])

  def start_gathers(j, s):
    g0 = pltpu.async_copy(
        tok_hbm.at[idx_v.at[pl.ds(j * L + _G0_OFF, _G0_LEN)]],
        w_all.at[s, pl.ds(_G0_OFF, _G0_LEN)], gsems.at[s], add=True)
    g1 = pltpu.async_copy(
        tok_hbm.at[idx_v.at[pl.ds(j * L + _G1_OFF, _G1_LEN)]],
        w_all.at[s, pl.ds(_G1_OFF, _G1_LEN)], gsems.at[s], add=True)
    return g0, g1

  def start_out(j, s):
    return pltpu.async_copy(w_all.at[s], out_hbm.at[base_b + j],
                            osems.at[s])

  def wait_init(s):
    pltpu.make_async_copy(
        my_base.at[pl.ds(N_CTX, L - N_CTX)],
        w_all.at[0, pl.ds(N_CTX, L - N_CTX)], isems.at[s]).wait()

  def wait_gathers(s):
    pltpu.make_async_copy(
        tok_hbm.at[pl.ds(0, _G0_LEN)],
        w_all.at[0, pl.ds(_G0_OFF, _G0_LEN)], gsems.at[s]).wait()
    pltpu.make_async_copy(
        tok_hbm.at[pl.ds(0, _G1_LEN)],
        w_all.at[0, pl.ds(_G1_OFF, _G1_LEN)], gsems.at[s]).wait()

  def wait_out(s):
    pltpu.make_async_copy(w_all.at[0], out_hbm.at[0], osems.at[s]).wait()

  init_d = {}
  gath_d = {}
  out_d = {}
  for t in range(_NBUF):
    init_d[t] = start_init(t, t % _NBUF)
    if t >= 1:
      init_d[t - 1].wait()
      gath_d[t - 1] = start_gathers(t - 1, (t - 1) % _NBUF)
    if t >= 2:
      gath_d[t - 2][0].wait()
      gath_d[t - 2][1].wait()
      out_d[t - 2] = start_out(t - 2, (t - 2) % _NBUF)

  def body(t, carry):
    s = lax.rem(t, _NBUF)
    wait_out(s)
    start_init(t, s)
    s1 = lax.rem(t - 1, _NBUF)
    wait_init(s1)
    start_gathers(t - 1, s1)
    s2 = lax.rem(t - 2, _NBUF)
    wait_gathers(s2)
    start_out(t - 2, s2)
    return carry

  lax.fori_loop(_NBUF, _BPW, body, 0)

  for t in range(_BPW, _BPW + 2):
    j = t - 1
    if j < _BPW:
      wait_init(j % _NBUF)
      gath_d[j] = start_gathers(j, j % _NBUF)
    j2 = t - 2
    wait_gathers(j2 % _NBUF)
    out_d[j2] = start_out(j2, j2 % _NBUF)
  for j in range(_BPW - _NBUF, _BPW):
    wait_out(j % _NBUF)


@jax.jit
def kernel(input_ids, token_table, position_table, ctx):
  ids = input_ids.astype(jnp.int32).reshape(-1)
  prefix = ctx[:N_CTX] + position_table[:N_CTX]
  base = jnp.concatenate([prefix, position_table[N_CTX:L]], axis=0)

  mesh = plsc.VectorSubcoreMesh(core_axis_name="c", subcore_axis_name="s")
  run = pl.kernel(
      _sc_embed,
      out_type=jax.ShapeDtypeStruct((B, L, EMBED_DIM), jnp.float32),
      mesh=mesh,
      scratch_types=[
          pltpu.VMEM((_BPW * L,), jnp.int32),
          pltpu.VMEM((_NBUF, L, EMBED_DIM), jnp.float32),
          pltpu.VMEM_SHARED((L, EMBED_DIM), jnp.float32),
          pltpu.SemaphoreType.DMA((4,)),
          pltpu.SemaphoreType.DMA((4,)),
          pltpu.SemaphoreType.DMA((4,)),
      ],
  )
  return run(ids, base, token_table)

# --- scband reference (transcript-rebuilt; emitter-appended) ---
"""Pipeline reference for scband-cliptext-embeddings-50809463111727 (READ-ONLY COPY).

The authoritative reference and input builder live on the scoring server;
editing this copy changes nothing except your own understanding.
"""

import jax, jax.numpy as jnp
import numpy as np

VOCAB = 100000
EMBED_DIM = 128
MAX_POS = 256
N_CTX = 16
B = 1024
L = 200


def setup_inputs(seed: int = 0) -> dict:
    key = jax.random.key(seed)
    k1, k2, k3, k4 = jax.random.split(key, 4)
    input_ids = jax.random.randint(k1, (B, L), 0, VOCAB, dtype=jnp.int64 if jax.config.jax_enable_x64 else jnp.int32)
    token_table = jax.random.normal(k2, (VOCAB, EMBED_DIM), dtype=jnp.float32)
    position_table = jax.random.normal(k3, (MAX_POS, EMBED_DIM), dtype=jnp.float32)
    ctx = jax.random.normal(k4, (N_CTX, EMBED_DIM), dtype=jnp.float32) * 0.02
    return {"input_ids": input_ids, "token_table": token_table, "position_table": position_table, "ctx": ctx}


def reference(input_ids, token_table, position_table, ctx):
    # inputs_embeds = token_embedding(input_ids)
    inputs_embeds = jnp.take(token_table, input_ids, axis=0)  # [B, L, D]
    b, l, d = inputs_embeds.shape
    prefix_len = min(N_CTX, l)
    if prefix_len > 0:
        ctx_prefix = jnp.broadcast_to(ctx[:prefix_len][None, :, :], (b, prefix_len, d))
        inputs_embeds = inputs_embeds.at[:, :prefix_len, :].set(ctx_prefix)
    position_ids = jnp.arange(l)[None, :]  # [1, L]
    pos_embeds = jnp.take(position_table, position_ids, axis=0)  # [1, L, D]
    return inputs_embeds + pos_embeds

if __name__ == "__main__":
    import jax
    _d = setup_inputs()
    print(jax.jit(kernel)(*tuple(_d.values())))

</pallas_src>

<mosaic_0001>
#map = affine_map<(d0, d1) -> (0)>
#map1 = affine_map<(d0, d1) -> (0, 0)>
#map2 = affine_map<(d0, d1) -> (0, 0, 0)>
module attributes {stable_mosaic.version = 14 : i64} {
  func.func @_sc_embed(%arg0: i32, %arg1: i32, %arg2: memref<204800xi32, #tpu.memory_space<hbm>>, %arg3: memref<200x128xf32, #tpu.memory_space<hbm>>, %arg4: memref<100000x128xf32, #tpu.memory_space<hbm>>, %arg5: memref<1024x200x128xf32, #tpu.memory_space<hbm>>, %arg6: memref<6400xi32, #tpu.memory_space<vmem>>, %arg7: memref<4x200x128xf32, #tpu.memory_space<vmem>>, %arg8: memref<200x128xf32, #tpu.memory_space<vmem_shared>>, %arg9: memref<4x!tpu.dma_semaphore, #tpu.memory_space<semaphore_mem>>, %arg10: memref<4x!tpu.dma_semaphore, #tpu.memory_space<semaphore_mem>>, %arg11: memref<4x!tpu.dma_semaphore, #tpu.memory_space<semaphore_mem>>) attributes {dimension_semantics = [#tpu.dimension_semantics<core_parallel>, #tpu.dimension_semantics<subcore_parallel>], iteration_bounds = array<i64: 2, 16>, scalar_prefetch = 0 : i64, scratch_operands = 6 : i64, tpu.core_type = #tpu.core_type<sc_vector_subcore>, window_params = [{transform_indices = #map}, {transform_indices = #map1}, {transform_indices = #map1}, {transform_indices = #map2}]} {
    %mul3A = arith.constant 2 : i32
    %mul3A_0 = arith.muli %arg1, %mul3A : i32
    %add3A = arith.addi %mul3A_0, %arg0 : i32
    %mul3A_1 = arith.constant 32 : i32
    %mul3A_2 = arith.muli %add3A, %mul3A_1 : i32
    %eq3A = arith.constant 0 : i32
    %eq3A_3 = arith.cmpi eq, %arg1, %eq3A : i32
    %convert_element_type3A = arith.extui %eq3A_3 : i1 to i32
    %cond3A = arith.constant 0 : i32
    %cond3A_4 = arith.cmpi ne, %convert_element_type3A, %cond3A : i32
    scf.if %cond3A_4 {
      "tpu.region"() ({
        %run_scoped3A_557 = tpu.sem_alloc : memref<!tpu.dma_semaphore, #tpu.memory_space<semaphore_mem>>
        tpu.enqueue_dma source(%arg3 : memref<200x128xf32, #tpu.memory_space<hbm>>) target(%arg8 : memref<200x128xf32, #tpu.memory_space<vmem_shared>>) target_semaphore(%run_scoped3A_557 : memref<!tpu.dma_semaphore, #tpu.memory_space<semaphore_mem>>)
        tpu.wait_dma2 semaphore(%run_scoped3A_557 : memref<!tpu.dma_semaphore, #tpu.memory_space<semaphore_mem>>) src(%arg3 : memref<200x128xf32, #tpu.memory_space<hbm>>) dst(%arg8 : memref<200x128xf32, #tpu.memory_space<vmem_shared>>)
        tpu.yield
      }) : () -> ()
    } else {
    }
    %mul3A_5 = arith.constant 200 : i32
    %mul3A_6 = arith.muli %mul3A_2, %mul3A_5 : i32
    "tpu.region"() ({
      %run_scoped3A_557 = tpu.sem_alloc : memref<!tpu.dma_semaphore, #tpu.memory_space<semaphore_mem>>
      %dma_start3A_558 = tpu.memref_slice %arg2[%mul3A_6] : memref<204800xi32, #tpu.memory_space<hbm>> -> memref<6400xi32, #tpu.memory_space<hbm>>
      %dma_start3A_559 = tpu.memref_slice %arg2[%mul3A_6] : memref<204800xi32, #tpu.memory_space<hbm>> -> memref<6400xi32, #tpu.memory_space<hbm>>
      tpu.enqueue_dma source(%dma_start3A_559 : memref<6400xi32, #tpu.memory_space<hbm>>) target(%arg6 : memref<6400xi32, #tpu.memory_space<vmem>>) target_semaphore(%run_scoped3A_557 : memref<!tpu.dma_semaphore, #tpu.memory_space<semaphore_mem>>)
      %dma_wait3A_560 = tpu.memref_slice %arg2[%mul3A_6] : memref<204800xi32, #tpu.memory_space<hbm>> -> memref<6400xi32, #tpu.memory_space<hbm>>
      %dma_wait3A_561 = tpu.memref_slice %arg2[%mul3A_6] : memref<204800xi32, #tpu.memory_space<hbm>> -> memref<6400xi32, #tpu.memory_space<hbm>>
      tpu.wait_dma2 semaphore(%run_scoped3A_557 : memref<!tpu.dma_semaphore, #tpu.memory_space<semaphore_mem>>) src(%dma_wait3A_561 : memref<6400xi32, #tpu.memory_space<hbm>>) dst(%arg6 : memref<6400xi32, #tpu.memory_space<vmem>>)
      tpu.yield
    }) : () -> ()
    %barrier3A = arith.constant 0 : index
    tpu.barrier barrier_id(%barrier3A)
    %run_scoped3A = arith.constant 0 : i32
    "tpu.region"() ({
      %run_scoped3A_557 = tpu.sem_alloc : memref<!tpu.dma_semaphore, #tpu.memory_space<semaphore_mem>>
      %dma_start3A_558 = arith.constant 0 : i32
      %dma_start3A_559 = arith.constant 0 : i32
      %dma_start3A_560 = tpu.memref_slice %arg7[%run_scoped3A, %dma_start3A_558, %dma_start3A_559] : memref<4x200x128xf32, #tpu.memory_space<vmem>> -> memref<1x16x128xf32, #tpu.memory_space<vmem>>
      %dma_start3A_561 = tpu.memref_squeeze %dma_start3A_560 : memref<1x16x128xf32, #tpu.memory_space<vmem>> -> memref<16x128xf32, #tpu.memory_space<vmem>>
      %dma_start3A_562 = arith.constant 0 : i32
      %dma_start3A_563 = arith.constant 0 : i32
      %dma_start3A_564 = tpu.memref_slice %arg8[%dma_start3A_562, %dma_start3A_563] : memref<200x128xf32, #tpu.memory_space<vmem_shared>> -> memref<16x128xf32, #tpu.memory_space<vmem_shared>>
      %dma_start3A_565 = arith.constant 0 : i32
      %dma_start3A_566 = arith.constant 0 : i32
      %dma_start3A_567 = tpu.memref_slice %arg7[%run_scoped3A, %dma_start3A_565, %dma_start3A_566] : memref<4x200x128xf32, #tpu.memory_space<vmem>> -> memref<1x16x128xf32, #tpu.memory_space<vmem>>
      %dma_start3A_568 = tpu.memref_squeeze %dma_start3A_567 : memref<1x16x128xf32, #tpu.memory_space<vmem>> -> memref<16x128xf32, #tpu.memory_space<vmem>>
      %dma_start3A_569 = arith.constant 0 : i32
      %dma_start3A_570 = arith.constant 0 : i32
      %dma_start3A_571 = tpu.memref_slice %arg8[%dma_start3A_569, %dma_start3A_570] : memref<200x128xf32, #tpu.memory_space<vmem_shared>> -> memref<16x128xf32, #tpu.memory_space<vmem_shared>>
      tpu.enqueue_dma source(%dma_start3A_571 : memref<16x128xf32, #tpu.memory_space<vmem_shared>>) target(%dma_start3A_568 : memref<16x128xf32, #tpu.memory_space<vmem>>) target_semaphore(%run_scoped3A_557 : memref<!tpu.dma_semaphore, #tpu.memory_space<semaphore_mem>>)
      %dma_wait3A_572 = arith.constant 0 : i32
      %dma_wait3A_573 = arith.constant 0 : i32
      %dma_wait3A_574 = tpu.memref_slice %arg7[%run_scoped3A, %dma_wait3A_572, %dma_wait3A_573] : memref<4x200x128xf32, #tpu.memory_space<vmem>> -> memref<1x16x128xf32, #tpu.memory_space<vmem>>
      %dma_wait3A_575 = tpu.memref_squeeze %dma_wait3A_574 : memref<1x16x128xf32, #tpu.memory_space<vmem>> -> memref<16x128xf32, #tpu.memory_space<vmem>>
      %dma_wait3A_576 = arith.constant 0 : i32
      %dma_wait3A_577 = arith.constant 0 : i32
      %dma_wait3A_578 = tpu.memref_slice %arg8[%dma_wait3A_576, %dma_wait3A_577] : memref<200x128xf32, #tpu.memory_space<vmem_shared>> -> memref<16x128xf32, #tpu.memory_space<vmem_shared>>
      %dma_wait3A_579 = arith.constant 0 : i32
      %dma_wait3A_580 = arith.constant 0 : i32
      %dma_wait3A_581 = tpu.memref_slice %arg7[%run_scoped3A, %dma_wait3A_579, %dma_wait3A_580] : memref<4x200x128xf32, #tpu.memory_space<vmem>> -> memref<1x16x128xf32, #tpu.memory_space<vmem>>
      %dma_wait3A_582 = tpu.memref_squeeze %dma_wait3A_581 : memref<1x16x128xf32, #tpu.memory_space<vmem>> -> memref<16x128xf32, #tpu.memory_space<vmem>>
      %dma_wait3A_583 = arith.constant 0 : i32
      %dma_wait3A_584 = arith.constant 0 : i32
      %dma_wait3A_585 = tpu.memref_slice %arg8[%dma_wait3A_583, %dma_wait3A_584] : memref<200x128xf32, #tpu.memory_space<vmem_shared>> -> memref<16x128xf32, #tpu.memory_space<vmem_shared>>
      tpu.wait_dma2 semaphore(%run_scoped3A_557 : memref<!tpu.dma_semaphore, #tpu.memory_space<semaphore_mem>>) src(%dma_wait3A_585 : memref<16x128xf32, #tpu.memory_space<vmem_shared>>) dst(%dma_wait3A_582 : memref<16x128xf32, #tpu.memory_space<vmem>>)
      tpu.yield
    }) : () -> ()
    %run_scoped3A_7 = arith.constant 1 : i32
    "tpu.region"() ({
      %run_scoped3A_557 = tpu.sem_alloc : memref<!tpu.dma_semaphore, #tpu.memory_space<semaphore_mem>>
      %dma_start3A_558 = arith.constant 0 : i32
      %dma_start3A_559 = arith.constant 0 : i32
      %dma_start3A_560 = tpu.memref_slice %arg7[%run_scoped3A_7, %dma_start3A_558, %dma_start3A_559] : memref<4x200x128xf32, #tpu.memory_space<vmem>> -> memref<1x16x128xf32, #tpu.memory_space<vmem>>
      %dma_start3A_561 = tpu.memref_squeeze %dma_start3A_560 : memref<1x16x128xf32, #tpu.memory_space<vmem>> -> memref<16x128xf32, #tpu.memory_space<vmem>>
      %dma_start3A_562 = arith.constant 0 : i32
      %dma_start3A_563 = arith.constant 0 : i32
      %dma_start3A_564 = tpu.memref_slice %arg8[%dma_start3A_562, %dma_start3A_563] : memref<200x128xf32, #tpu.memory_space<vmem_shared>> -> memref<16x128xf32, #tpu.memory_space<vmem_shared>>
      %dma_start3A_565 = arith.constant 0 : i32
      %dma_start3A_566 = arith.constant 0 : i32
      %dma_start3A_567 = tpu.memref_slice %arg7[%run_scoped3A_7, %dma_start3A_565, %dma_start3A_566] : memref<4x200x128xf32, #tpu.memory_space<vmem>> -> memref<1x16x128xf32, #tpu.memory_space<vmem>>
      %dma_start3A_568 = tpu.memref_squeeze %dma_start3A_567 : memref<1x16x128xf32, #tpu.memory_space<vmem>> -> memref<16x128xf32, #tpu.memory_space<vmem>>
      %dma_start3A_569 = arith.constant 0 : i32
      %dma_start3A_570 = arith.constant 0 : i32
      %dma_start3A_571 = tpu.memref_slice %arg8[%dma_start3A_569, %dma_start3A_570] : memref<200x128xf32, #tpu.memory_space<vmem_shared>> -> memref<16x128xf32, #tpu.memory_space<vmem_shared>>
      tpu.enqueue_dma source(%dma_start3A_571 : memref<16x128xf32, #tpu.memory_space<vmem_shared>>) target(%dma_start3A_568 : memref<16x128xf32, #tpu.memory_space<vmem>>) target_semaphore(%run_scoped3A_557 : memref<!tpu.dma_semaphore, #tpu.memory_space<semaphore_mem>>)
      %dma_wait3A_572 = arith.constant 0 : i32
      %dma_wait3A_573 = arith.constant 0 : i32
      %dma_wait3A_574 = tpu.memref_slice %arg7[%run_scoped3A_7, %dma_wait3A_572, %dma_wait3A_573] : memref<4x200x128xf32, #tpu.memory_space<vmem>> -> memref<1x16x128xf32, #tpu.memory_space<vmem>>
      %dma_wait3A_575 = tpu.memref_squeeze %dma_wait3A_574 : memref<1x16x128xf32, #tpu.memory_space<vmem>> -> memref<16x128xf32, #tpu.memory_space<vmem>>
      %dma_wait3A_576 = arith.constant 0 : i32
      %dma_wait3A_577 = arith.constant 0 : i32
      %dma_wait3A_578 = tpu.memref_slice %arg8[%dma_wait3A_576, %dma_wait3A_577] : memref<200x128xf32, #tpu.memory_space<vmem_shared>> -> memref<16x128xf32, #tpu.memory_space<vmem_shared>>
      %dma_wait3A_579 = arith.constant 0 : i32
      %dma_wait3A_580 = arith.constant 0 : i32
      %dma_wait3A_581 = tpu.memref_slice %arg7[%run_scoped3A_7, %dma_wait3A_579, %dma_wait3A_580] : memref<4x200x128xf32, #tpu.memory_space<vmem>> -> memref<1x16x128xf32, #tpu.memory_space<vmem>>
      %dma_wait3A_582 = tpu.memref_squeeze %dma_wait3A_581 : memref<1x16x128xf32, #tpu.memory_space<vmem>> -> memref<16x128xf32, #tpu.memory_space<vmem>>
      %dma_wait3A_583 = arith.constant 0 : i32
      %dma_wait3A_584 = arith.constant 0 : i32
      %dma_wait3A_585 = tpu.memref_slice %arg8[%dma_wait3A_583, %dma_wait3A_584] : memref<200x128xf32, #tpu.memory_space<vmem_shared>> -> memref<16x128xf32, #tpu.memory_space<vmem_shared>>
      tpu.wait_dma2 semaphore(%run_scoped3A_557 : memref<!tpu.dma_semaphore, #tpu.memory_space<semaphore_mem>>) src(%dma_wait3A_585 : memref<16x128xf32, #tpu.memory_space<vmem_shared>>) dst(%dma_wait3A_582 : memref<16x128xf32, #tpu.memory_space<vmem>>)
      tpu.yield
    }) : () -> ()
    %run_scoped3A_8 = arith.constant 2 : i32
    "tpu.region"() ({
      %run_scoped3A_557 = tpu.sem_alloc : memref<!tpu.dma_semaphore, #tpu.memory_space<semaphore_mem>>
      %dma_start3A_558 = arith.constant 0 : i32
      %dma_start3A_559 = arith.constant 0 : i32
      %dma_start3A_560 = tpu.memref_slice %arg7[%run_scoped3A_8, %dma_start3A_558, %dma_start3A_559] : memref<4x200x128xf32, #tpu.memory_space<vmem>> -> memref<1x16x128xf32, #tpu.memory_space<vmem>>
      %dma_start3A_561 = tpu.memref_squeeze %dma_start3A_560 : memref<1x16x128xf32, #tpu.memory_space<vmem>> -> memref<16x128xf32, #tpu.memory_space<vmem>>
      %dma_start3A_562 = arith.constant 0 : i32
      %dma_start3A_563 = arith.constant 0 : i32
      %dma_start3A_564 = tpu.memref_slice %arg8[%dma_start3A_562, %dma_start3A_563] : memref<200x128xf32, #tpu.memory_space<vmem_shared>> -> memref<16x128xf32, #tpu.memory_space<vmem_shared>>
      %dma_start3A_565 = arith.constant 0 : i32
      %dma_start3A_566 = arith.constant 0 : i32
      %dma_start3A_567 = tpu.memref_slice %arg7[%run_scoped3A_8, %dma_start3A_565, %dma_start3A_566] : memref<4x200x128xf32, #tpu.memory_space<vmem>> -> memref<1x16x128xf32, #tpu.memory_space<vmem>>
      %dma_start3A_568 = tpu.memref_squeeze %dma_start3A_567 : memref<1x16x128xf32, #tpu.memory_space<vmem>> -> memref<16x128xf32, #tpu.memory_space<vmem>>
      %dma_start3A_569 = arith.constant 0 : i32
      %dma_start3A_570 = arith.constant 0 : i32
      %dma_start3A_571 = tpu.memref_slice %arg8[%dma_start3A_569, %dma_start3A_570] : memref<200x128xf32, #tpu.memory_space<vmem_shared>> -> memref<16x128xf32, #tpu.memory_space<vmem_shared>>
      tpu.enqueue_dma source(%dma_start3A_571 : memref<16x128xf32, #tpu.memory_space<vmem_shared>>) target(%dma_start3A_568 : memref<16x128xf32, #tpu.memory_space<vmem>>) target_semaphore(%run_scoped3A_557 : memref<!tpu.dma_semaphore, #tpu.memory_space<semaphore_mem>>)
      %dma_wait3A_572 = arith.constant 0 : i32
      %dma_wait3A_573 = arith.constant 0 : i32
      %dma_wait3A_574 = tpu.memref_slice %arg7[%run_scoped3A_8, %dma_wait3A_572, %dma_wait3A_573] : memref<4x200x128xf32, #tpu.memory_space<vmem>> -> memref<1x16x128xf32, #tpu.memory_space<vmem>>
      %dma_wait3A_575 = tpu.memref_squeeze %dma_wait3A_574 : memref<1x16x128xf32, #tpu.memory_space<vmem>> -> memref<16x128xf32, #tpu.memory_space<vmem>>
      %dma_wait3A_576 = arith.constant 0 : i32
      %dma_wait3A_577 = arith.constant 0 : i32
      %dma_wait3A_578 = tpu.memref_slice %arg8[%dma_wait3A_576, %dma_wait3A_577] : memref<200x128xf32, #tpu.memory_space<vmem_shared>> -> memref<16x128xf32, #tpu.memory_space<vmem_shared>>
      %dma_wait3A_579 = arith.constant 0 : i32
      %dma_wait3A_580 = arith.constant 0 : i32
      %dma_wait3A_581 = tpu.memref_slice %arg7[%run_scoped3A_8, %dma_wait3A_579, %dma_wait3A_580] : memref<4x200x128xf32, #tpu.memory_space<vmem>> -> memref<1x16x128xf32, #tpu.memory_space<vmem>>
      %dma_wait3A_582 = tpu.memref_squeeze %dma_wait3A_581 : memref<1x16x128xf32, #tpu.memory_space<vmem>> -> memref<16x128xf32, #tpu.memory_space<vmem>>
      %dma_wait3A_583 = arith.constant 0 : i32
      %dma_wait3A_584 = arith.constant 0 : i32
      %dma_wait3A_585 = tpu.memref_slice %arg8[%dma_wait3A_583, %dma_wait3A_584] : memref<200x128xf32, #tpu.memory_space<vmem_shared>> -> memref<16x128xf32, #tpu.memory_space<vmem_shared>>
      tpu.wait_dma2 semaphore(%run_scoped3A_557 : memref<!tpu.dma_semaphore, #tpu.memory_space<semaphore_mem>>) src(%dma_wait3A_585 : memref<16x128xf32, #tpu.memory_space<vmem_shared>>) dst(%dma_wait3A_582 : memref<16x128xf32, #tpu.memory_space<vmem>>)
      tpu.yield
    }) : () -> ()
    %run_scoped3A_9 = arith.constant 3 : i32
    "tpu.region"() ({
      %run_scoped3A_557 = tpu.sem_alloc : memref<!tpu.dma_semaphore, #tpu.memory_space<semaphore_mem>>
      %dma_start3A_558 = arith.constant 0 : i32
      %dma_start3A_559 = arith.constant 0 : i32
      %dma_start3A_560 = tpu.memref_slice %arg7[%run_scoped3A_9, %dma_start3A_558, %dma_start3A_559] : memref<4x200x128xf32, #tpu.memory_space<vmem>> -> memref<1x16x128xf32, #tpu.memory_space<vmem>>
      %dma_start3A_561 = tpu.memref_squeeze %dma_start3A_560 : memref<1x16x128xf32, #tpu.memory_space<vmem>> -> memref<16x128xf32, #tpu.memory_space<vmem>>
      %dma_start3A_562 = arith.constant 0 : i32
      %dma_start3A_563 = arith.constant 0 : i32
      %dma_start3A_564 = tpu.memref_slice %arg8[%dma_start3A_562, %dma_start3A_563] : memref<200x128xf32, #tpu.memory_space<vmem_shared>> -> memref<16x128xf32, #tpu.memory_space<vmem_shared>>
      %dma_start3A_565 = arith.constant 0 : i32
      %dma_start3A_566 = arith.constant 0 : i32
      %dma_start3A_567 = tpu.memref_slice %arg7[%run_scoped3A_9, %dma_start3A_565, %dma_start3A_566] : memref<4x200x128xf32, #tpu.memory_space<vmem>> -> memref<1x16x128xf32, #tpu.memory_space<vmem>>
      %dma_start3A_568 = tpu.memref_squeeze %dma_start3A_567 : memref<1x16x128xf32, #tpu.memory_space<vmem>> -> memref<16x128xf32, #tpu.memory_space<vmem>>
      %dma_start3A_569 = arith.constant 0 : i32
      %dma_start3A_570 = arith.constant 0 : i32
      %dma_start3A_571 = tpu.memref_slice %arg8[%dma_start3A_569, %dma_start3A_570] : memref<200x128xf32, #tpu.memory_space<vmem_shared>> -> memref<16x128xf32, #tpu.memory_space<vmem_shared>>
      tpu.enqueue_dma source(%dma_start3A_571 : memref<16x128xf32, #tpu.memory_space<vmem_shared>>) target(%dma_start3A_568 : memref<16x128xf32, #tpu.memory_space<vmem>>) target_semaphore(%run_scoped3A_557 : memref<!tpu.dma_semaphore, #tpu.memory_space<semaphore_mem>>)
      %dma_wait3A_572 = arith.constant 0 : i32
      %dma_wait3A_573 = arith.constant 0 : i32
      %dma_wait3A_574 = tpu.memref_slice %arg7[%run_scoped3A_9, %dma_wait3A_572, %dma_wait3A_573] : memref<4x200x128xf32, #tpu.memory_space<vmem>> -> memref<1x16x128xf32, #tpu.memory_space<vmem>>
      %dma_wait3A_575 = tpu.memref_squeeze %dma_wait3A_574 : memref<1x16x128xf32, #tpu.memory_space<vmem>> -> memref<16x128xf32, #tpu.memory_space<vmem>>
      %dma_wait3A_576 = arith.constant 0 : i32
      %dma_wait3A_577 = arith.constant 0 : i32
      %dma_wait3A_578 = tpu.memref_slice %arg8[%dma_wait3A_576, %dma_wait3A_577] : memref<200x128xf32, #tpu.memory_space<vmem_shared>> -> memref<16x128xf32, #tpu.memory_space<vmem_shared>>
      %dma_wait3A_579 = arith.constant 0 : i32
      %dma_wait3A_580 = arith.constant 0 : i32
      %dma_wait3A_581 = tpu.memref_slice %arg7[%run_scoped3A_9, %dma_wait3A_579, %dma_wait3A_580] : memref<4x200x128xf32, #tpu.memory_space<vmem>> -> memref<1x16x128xf32, #tpu.memory_space<vmem>>
      %dma_wait3A_582 = tpu.memref_squeeze %dma_wait3A_581 : memref<1x16x128xf32, #tpu.memory_space<vmem>> -> memref<16x128xf32, #tpu.memory_space<vmem>>
      %dma_wait3A_583 = arith.constant 0 : i32
      %dma_wait3A_584 = arith.constant 0 : i32
      %dma_wait3A_585 = tpu.memref_slice %arg8[%dma_wait3A_583, %dma_wait3A_584] : memref<200x128xf32, #tpu.memory_space<vmem_shared>> -> memref<16x128xf32, #tpu.memory_space<vmem_shared>>
      tpu.wait_dma2 semaphore(%run_scoped3A_557 : memref<!tpu.dma_semaphore, #tpu.memory_space<semaphore_mem>>) src(%dma_wait3A_585 : memref<16x128xf32, #tpu.memory_space<vmem_shared>>) dst(%dma_wait3A_582 : memref<16x128xf32, #tpu.memory_space<vmem>>)
      tpu.yield
    }) : () -> ()
    %dma_start3A = arith.constant 0 : i32
    %dma_start3A_10 = arith.constant 0 : i32
    %dma_start3A_11 = arith.constant 16 : i32
    %dma_start3A_12 = arith.constant 0 : i32
    %dma_start3A_13 = tpu.memref_slice %arg7[%dma_start3A, %dma_start3A_11, %dma_start3A_12] : memref<4x200x128xf32, #tpu.memory_space<vmem>> -> memref<1x184x128xf32, #tpu.memory_space<vmem>>
    %dma_start3A_14 = tpu.memref_squeeze %dma_start3A_13 : memref<1x184x128xf32, #tpu.memory_space<vmem>> -> memref<184x128xf32, #tpu.memory_space<vmem>>
    %dma_start3A_15 = arith.constant 16 : i32
    %dma_start3A_16 = arith.constant 0 : i32
    %dma_start3A_17 = tpu.memref_slice %arg8[%dma_start3A_15, %dma_start3A_16] : memref<200x128xf32, #tpu.memory_space<vmem_shared>> -> memref<184x128xf32, #tpu.memory_space<vmem_shared>>
    %dma_start3A_18 = tpu.memref_slice %arg9[%dma_start3A_10] : memref<4x!tpu.dma_semaphore, #tpu.memory_space<semaphore_mem>> -> memref<1x!tpu.dma_semaphore, #tpu.memory_space<semaphore_mem>>
    %dma_start3A_19 = tpu.memref_squeeze %dma_start3A_18 : memref<1x!tpu.dma_semaphore, #tpu.memory_space<semaphore_mem>> -> memref<!tpu.dma_semaphore, #tpu.memory_space<semaphore_mem>>
    %dma_start3A_20 = arith.constant 16 : i32
    %dma_start3A_21 = arith.constant 0 : i32
    %dma_start3A_22 = tpu.memref_slice %arg7[%dma_start3A, %dma_start3A_20, %dma_start3A_21] : memref<4x200x128xf32, #tpu.memory_space<vmem>> -> memref<1x184x128xf32, #tpu.memory_space<vmem>>
    %dma_start3A_23 = tpu.memref_squeeze %dma_start3A_22 : memref<1x184x128xf32, #tpu.memory_space<vmem>> -> memref<184x128xf32, #tpu.memory_space<vmem>>
    %dma_start3A_24 = arith.constant 16 : i32
    %dma_start3A_25 = arith.constant 0 : i32
    %dma_start3A_26 = tpu.memref_slice %arg8[%dma_start3A_24, %dma_start3A_25] : memref<200x128xf32, #tpu.memory_space<vmem_shared>> -> memref<184x128xf32, #tpu.memory_space<vmem_shared>>
    tpu.enqueue_dma source(%dma_start3A_26 : memref<184x128xf32, #tpu.memory_space<vmem_shared>>) target(%dma_start3A_23 : memref<184x128xf32, #tpu.memory_space<vmem>>) target_semaphore(%dma_start3A_19 : memref<!tpu.dma_semaphore, #tpu.memory_space<semaphore_mem>>)
    %dma_start3A_27 = arith.constant 1 : i32
    %dma_start3A_28 = arith.constant 1 : i32
    %dma_start3A_29 = arith.constant 16 : i32
    %dma_start3A_30 = arith.constant 0 : i32
    %dma_start3A_31 = tpu.memref_slice %arg7[%dma_start3A_27, %dma_start3A_29, %dma_start3A_30] : memref<4x200x128xf32, #tpu.memory_space<vmem>> -> memref<1x184x128xf32, #tpu.memory_space<vmem>>
    %dma_start3A_32 = tpu.memref_squeeze %dma_start3A_31 : memref<1x184x128xf32, #tpu.memory_space<vmem>> -> memref<184x128xf32, #tpu.memory_space<vmem>>
    %dma_start3A_33 = arith.constant 16 : i32
    %dma_start3A_34 = arith.constant 0 : i32
    %dma_start3A_35 = tpu.memref_slice %arg8[%dma_start3A_33, %dma_start3A_34] : memref<200x128xf32, #tpu.memory_space<vmem_shared>> -> memref<184x128xf32, #tpu.memory_space<vmem_shared>>
    %dma_start3A_36 = tpu.memref_slice %arg9[%dma_start3A_28] : memref<4x!tpu.dma_semaphore, #tpu.memory_space<semaphore_mem>> -> memref<1x!tpu.dma_semaphore, #tpu.memory_space<semaphore_mem>>
    %dma_start3A_37 = tpu.memref_squeeze %dma_start3A_36 : memref<1x!tpu.dma_semaphore, #tpu.memory_space<semaphore_mem>> -> memref<!tpu.dma_semaphore, #tpu.memory_space<semaphore_mem>>
    %dma_start3A_38 = arith.constant 16 : i32
    %dma_start3A_39 = arith.constant 0 : i32
    %dma_start3A_40 = tpu.memref_slice %arg7[%dma_start3A_27, %dma_start3A_38, %dma_start3A_39] : memref<4x200x128xf32, #tpu.memory_space<vmem>> -> memref<1x184x128xf32, #tpu.memory_space<vmem>>
    %dma_start3A_41 = tpu.memref_squeeze %dma_start3A_40 : memref<1x184x128xf32, #tpu.memory_space<vmem>> -> memref<184x128xf32, #tpu.memory_space<vmem>>
    %dma_start3A_42 = arith.constant 16 : i32
    %dma_start3A_43 = arith.constant 0 : i32
    %dma_start3A_44 = tpu.memref_slice %arg8[%dma_start3A_42, %dma_start3A_43] : memref<200x128xf32, #tpu.memory_space<vmem_shared>> -> memref<184x128xf32, #tpu.memory_space<vmem_shared>>
    tpu.enqueue_dma source(%dma_start3A_44 : memref<184x128xf32, #tpu.memory_space<vmem_shared>>) target(%dma_start3A_41 : memref<184x128xf32, #tpu.memory_space<vmem>>) target_semaphore(%dma_start3A_37 : memref<!tpu.dma_semaphore, #tpu.memory_space<semaphore_mem>>)
    %dma_wait3A = arith.constant 0 : i32
    %dma_wait3A_45 = arith.constant 0 : i32
    %dma_wait3A_46 = arith.constant 16 : i32
    %dma_wait3A_47 = arith.constant 0 : i32
    %dma_wait3A_48 = tpu.memref_slice %arg7[%dma_wait3A, %dma_wait3A_46, %dma_wait3A_47] : memref<4x200x128xf32, #tpu.memory_space<vmem>> -> memref<1x184x128xf32, #tpu.memory_space<vmem>>
    %dma_wait3A_49 = tpu.memref_squeeze %dma_wait3A_48 : memref<1x184x128xf32, #tpu.memory_space<vmem>> -> memref<184x128xf32, #tpu.memory_space<vmem>>
    %dma_wait3A_50 = arith.constant 16 : i32
    %dma_wait3A_51 = arith.constant 0 : i32
    %dma_wait3A_52 = tpu.memref_slice %arg8[%dma_wait3A_50, %dma_wait3A_51] : memref<200x128xf32, #tpu.memory_space<vmem_shared>> -> memref<184x128xf32, #tpu.memory_space<vmem_shared>>
    %dma_wait3A_53 = tpu.memref_slice %arg9[%dma_wait3A_45] : memref<4x!tpu.dma_semaphore, #tpu.memory_space<semaphore_mem>> -> memref<1x!tpu.dma_semaphore, #tpu.memory_space<semaphore_mem>>
    %dma_wait3A_54 = tpu.memref_squeeze %dma_wait3A_53 : memref<1x!tpu.dma_semaphore, #tpu.memory_space<semaphore_mem>> -> memref<!tpu.dma_semaphore, #tpu.memory_space<semaphore_mem>>
    %dma_wait3A_55 = arith.constant 16 : i32
    %dma_wait3A_56 = arith.constant 0 : i32
    %dma_wait3A_57 = tpu.memref_slice %arg7[%dma_wait3A, %dma_wait3A_55, %dma_wait3A_56] : memref<4x200x128xf32, #tpu.memory_space<vmem>> -> memref<1x184x128xf32, #tpu.memory_space<vmem>>
    %dma_wait3A_58 = tpu.memref_squeeze %dma_wait3A_57 : memref<1x184x128xf32, #tpu.memory_space<vmem>> -> memref<184x128xf32, #tpu.memory_space<vmem>>
    %dma_wait3A_59 = arith.constant 16 : i32
    %dma_wait3A_60 = arith.constant 0 : i32
    %dma_wait3A_61 = tpu.memref_slice %arg8[%dma_wait3A_59, %dma_wait3A_60] : memref<200x128xf32, #tpu.memory_space<vmem_shared>> -> memref<184x128xf32, #tpu.memory_space<vmem_shared>>
    tpu.wait_dma2 semaphore(%dma_wait3A_54 : memref<!tpu.dma_semaphore, #tpu.memory_space<semaphore_mem>>) src(%dma_wait3A_61 : memref<184x128xf32, #tpu.memory_space<vmem_shared>>) dst(%dma_wait3A_58 : memref<184x128xf32, #tpu.memory_space<vmem>>)
    %dma_start3A_62 = arith.constant 0 : i32
    %dma_start3A_63 = arith.constant 0 : i32
    %dma_start3A_64 = arith.constant 16 : i32
    %dma_start3A_65 = arith.constant 0 : i32
    %dma_start3A_66 = tpu.memref_slice %arg7[%dma_start3A_62, %dma_start3A_64, %dma_start3A_65] : memref<4x200x128xf32, #tpu.memory_space<vmem>> -> memref<1x96x128xf32, #tpu.memory_space<vmem>>
    %dma_start3A_67 = tpu.memref_squeeze %dma_start3A_66 : memref<1x96x128xf32, #tpu.memory_space<vmem>> -> memref<96x128xf32, #tpu.memory_space<vmem>>
    %dma_start3A_68 = arith.constant 16 : i32
    %dma_start3A_69 = tpu.memref_slice %arg6[%dma_start3A_68] : memref<6400xi32, #tpu.memory_space<vmem>> -> memref<96xi32, #tpu.memory_space<vmem>>
    %dma_start3A_70 = arith.constant 0 : i32
    %dma_start3A_71 = arith.constant 0 : i32
    %dma_start3A_72 = tpu.memref_slice %arg4[%dma_start3A_70, %dma_start3A_71] : memref<100000x128xf32, #tpu.memory_space<hbm>> -> memref<100000x128xf32, #tpu.memory_space<hbm>>
    %dma_start3A_73 = tpu.memref_slice %arg10[%dma_start3A_63] : memref<4x!tpu.dma_semaphore, #tpu.memory_space<semaphore_mem>> -> memref<1x!tpu.dma_semaphore, #tpu.memory_space<semaphore_mem>>
    %dma_start3A_74 = tpu.memref_squeeze %dma_start3A_73 : memref<1x!tpu.dma_semaphore, #tpu.memory_space<semaphore_mem>> -> memref<!tpu.dma_semaphore, #tpu.memory_space<semaphore_mem>>
    tpu.enqueue_indirect_dma source(%dma_start3A_72 : memref<100000x128xf32, #tpu.memory_space<hbm>>) target(%dma_start3A_67 : memref<96x128xf32, #tpu.memory_space<vmem>>) offsets(%dma_start3A_69 : memref<96xi32, #tpu.memory_space<vmem>>) semaphore(%dma_start3A_74 : memref<!tpu.dma_semaphore, #tpu.memory_space<semaphore_mem>>) {add = true}
    %dma_start3A_75 = arith.constant 0 : i32
    %dma_start3A_76 = arith.constant 0 : i32
    %dma_start3A_77 = arith.constant 112 : i32
    %dma_start3A_78 = arith.constant 0 : i32
    %dma_start3A_79 = tpu.memref_slice %arg7[%dma_start3A_75, %dma_start3A_77, %dma_start3A_78] : memref<4x200x128xf32, #tpu.memory_space<vmem>> -> memref<1x88x128xf32, #tpu.memory_space<vmem>>
    %dma_start3A_80 = tpu.memref_squeeze %dma_start3A_79 : memref<1x88x128xf32, #tpu.memory_space<vmem>> -> memref<88x128xf32, #tpu.memory_space<vmem>>
    %dma_start3A_81 = arith.constant 112 : i32
    %dma_start3A_82 = tpu.memref_slice %arg6[%dma_start3A_81] : memref<6400xi32, #tpu.memory_space<vmem>> -> memref<88xi32, #tpu.memory_space<vmem>>
    %dma_start3A_83 = arith.constant 0 : i32
    %dma_start3A_84 = arith.constant 0 : i32
    %dma_start3A_85 = tpu.memref_slice %arg4[%dma_start3A_83, %dma_start3A_84] : memref<100000x128xf32, #tpu.memory_space<hbm>> -> memref<100000x128xf32, #tpu.memory_space<hbm>>
    %dma_start3A_86 = tpu.memref_slice %arg10[%dma_start3A_76] : memref<4x!tpu.dma_semaphore, #tpu.memory_space<semaphore_mem>> -> memref<1x!tpu.dma_semaphore, #tpu.memory_space<semaphore_mem>>
    %dma_start3A_87 = tpu.memref_squeeze %dma_start3A_86 : memref<1x!tpu.dma_semaphore, #tpu.memory_space<semaphore_mem>> -> memref<!tpu.dma_semaphore, #tpu.memory_space<semaphore_mem>>
    tpu.enqueue_indirect_dma source(%dma_start3A_85 : memref<100000x128xf32, #tpu.memory_space<hbm>>) target(%dma_start3A_80 : memref<88x128xf32, #tpu.memory_space<vmem>>) offsets(%dma_start3A_82 : memref<88xi32, #tpu.memory_space<vmem>>) semaphore(%dma_start3A_87 : memref<!tpu.dma_semaphore, #tpu.memory_space<semaphore_mem>>) {add = true}
    %dma_start3A_88 = arith.constant 2 : i32
    %dma_start3A_89 = arith.constant 2 : i32
    %dma_start3A_90 = arith.constant 16 : i32
    %dma_start3A_91 = arith.constant 0 : i32
    %dma_start3A_92 = tpu.memref_slice %arg7[%dma_start3A_88, %dma_start3A_90, %dma_start3A_91] : memref<4x200x128xf32, #tpu.memory_space<vmem>> -> memref<1x184x128xf32, #tpu.memory_space<vmem>>
    %dma_start3A_93 = tpu.memref_squeeze %dma_start3A_92 : memref<1x184x128xf32, #tpu.memory_space<vmem>> -> memref<184x128xf32, #tpu.memory_space<vmem>>
    %dma_start3A_94 = arith.constant 16 : i32
    %dma_start3A_95 = arith.constant 0 : i32
    %dma_start3A_96 = tpu.memref_slice %arg8[%dma_start3A_94, %dma_start3A_95] : memref<200x128xf32, #tpu.memory_space<vmem_shared>> -> memref<184x128xf32, #tpu.memory_space<vmem_shared>>
    %dma_start3A_97 = tpu.memref_slice %arg9[%dma_start3A_89] : memref<4x!tpu.dma_semaphore, #tpu.memory_space<semaphore_mem>> -> memref<1x!tpu.dma_semaphore, #tpu.memory_space<semaphore_mem>>
    %dma_start3A_98 = tpu.memref_squeeze %dma_start3A_97 : memref<1x!tpu.dma_semaphore, #tpu.memory_space<semaphore_mem>> -> memref<!tpu.dma_semaphore, #tpu.memory_space<semaphore_mem>>
    %dma_start3A_99 = arith.constant 16 : i32
    %dma_start3A_100 = arith.constant 0 : i32
    %dma_start3A_101 = tpu.memref_slice %arg7[%dma_start3A_88, %dma_start3A_99, %dma_start3A_100] : memref<4x200x128xf32, #tpu.memory_space<vmem>> -> memref<1x184x128xf32, #tpu.memory_space<vmem>>
    %dma_start3A_102 = tpu.memref_squeeze %dma_start3A_101 : memref<1x184x128xf32, #tpu.memory_space<vmem>> -> memref<184x128xf32, #tpu.memory_space<vmem>>
    %dma_start3A_103 = arith.constant 16 : i32
    %dma_start3A_104 = arith.constant 0 : i32
    %dma_start3A_105 = tpu.memref_slice %arg8[%dma_start3A_103, %dma_start3A_104] : memref<200x128xf32, #tpu.memory_space<vmem_shared>> -> memref<184x128xf32, #tpu.memory_space<vmem_shared>>
    tpu.enqueue_dma source(%dma_start3A_105 : memref<184x128xf32, #tpu.memory_space<vmem_shared>>) target(%dma_start3A_102 : memref<184x128xf32, #tpu.memory_space<vmem>>) target_semaphore(%dma_start3A_98 : memref<!tpu.dma_semaphore, #tpu.memory_space<semaphore_mem>>)
    %dma_wait3A_106 = arith.constant 1 : i32
    %dma_wait3A_107 = arith.constant 1 : i32
    %dma_wait3A_108 = arith.constant 16 : i32
    %dma_wait3A_109 = arith.constant 0 : i32
    %dma_wait3A_110 = tpu.memref_slice %arg7[%dma_wait3A_106, %dma_wait3A_108, %dma_wait3A_109] : memref<4x200x128xf32, #tpu.memory_space<vmem>> -> memref<1x184x128xf32, #tpu.memory_space<vmem>>
    %dma_wait3A_111 = tpu.memref_squeeze %dma_wait3A_110 : memref<1x184x128xf32, #tpu.memory_space<vmem>> -> memref<184x128xf32, #tpu.memory_space<vmem>>
    %dma_wait3A_112 = arith.constant 16 : i32
    %dma_wait3A_113 = arith.constant 0 : i32
    %dma_wait3A_114 = tpu.memref_slice %arg8[%dma_wait3A_112, %dma_wait3A_113] : memref<200x128xf32, #tpu.memory_space<vmem_shared>> -> memref<184x128xf32, #tpu.memory_space<vmem_shared>>
    %dma_wait3A_115 = tpu.memref_slice %arg9[%dma_wait3A_107] : memref<4x!tpu.dma_semaphore, #tpu.memory_space<semaphore_mem>> -> memref<1x!tpu.dma_semaphore, #tpu.memory_space<semaphore_mem>>
    %dma_wait3A_116 = tpu.memref_squeeze %dma_wait3A_115 : memref<1x!tpu.dma_semaphore, #tpu.memory_space<semaphore_mem>> -> memref<!tpu.dma_semaphore, #tpu.memory_space<semaphore_mem>>
    %dma_wait3A_117 = arith.constant 16 : i32
    %dma_wait3A_118 = arith.constant 0 : i32
    %dma_wait3A_119 = tpu.memref_slice %arg7[%dma_wait3A_106, %dma_wait3A_117, %dma_wait3A_118] : memref<4x200x128xf32, #tpu.memory_space<vmem>> -> memref<1x184x128xf32, #tpu.memory_space<vmem>>
    %dma_wait3A_120 = tpu.memref_squeeze %dma_wait3A_119 : memref<1x184x128xf32, #tpu.memory_space<vmem>> -> memref<184x128xf32, #tpu.memory_space<vmem>>
    %dma_wait3A_121 = arith.constant 16 : i32
    %dma_wait3A_122 = arith.constant 0 : i32
    %dma_wait3A_123 = tpu.memref_slice %arg8[%dma_wait3A_121, %dma_wait3A_122] : memref<200x128xf32, #tpu.memory_space<vmem_shared>> -> memref<184x128xf32, #tpu.memory_space<vmem_shared>>
    tpu.wait_dma2 semaphore(%dma_wait3A_116 : memref<!tpu.dma_semaphore, #tpu.memory_space<semaphore_mem>>) src(%dma_wait3A_123 : memref<184x128xf32, #tpu.memory_space<vmem_shared>>) dst(%dma_wait3A_120 : memref<184x128xf32, #tpu.memory_space<vmem>>)
    %dma_start3A_124 = arith.constant 1 : i32
    %dma_start3A_125 = arith.constant 1 : i32
    %dma_start3A_126 = arith.constant 16 : i32
    %dma_start3A_127 = arith.constant 0 : i32
    %dma_start3A_128 = tpu.memref_slice %arg7[%dma_start3A_124, %dma_start3A_126, %dma_start3A_127] : memref<4x200x128xf32, #tpu.memory_space<vmem>> -> memref<1x96x128xf32, #tpu.memory_space<vmem>>
    %dma_start3A_129 = tpu.memref_squeeze %dma_start3A_128 : memref<1x96x128xf32, #tpu.memory_space<vmem>> -> memref<96x128xf32, #tpu.memory_space<vmem>>
    %dma_start3A_130 = arith.constant 216 : i32
    %dma_start3A_131 = tpu.memref_slice %arg6[%dma_start3A_130] : memref<6400xi32, #tpu.memory_space<vmem>> -> memref<96xi32, #tpu.memory_space<vmem>>
    %dma_start3A_132 = arith.constant 0 : i32
    %dma_start3A_133 = arith.constant 0 : i32
    %dma_start3A_134 = tpu.memref_slice %arg4[%dma_start3A_132, %dma_start3A_133] : memref<100000x128xf32, #tpu.memory_space<hbm>> -> memref<100000x128xf32, #tpu.memory_space<hbm>>
    %dma_start3A_135 = tpu.memref_slice %arg10[%dma_start3A_125] : memref<4x!tpu.dma_semaphore, #tpu.memory_space<semaphore_mem>> -> memref<1x!tpu.dma_semaphore, #tpu.memory_space<semaphore_mem>>
    %dma_start3A_136 = tpu.memref_squeeze %dma_start3A_135 : memref<1x!tpu.dma_semaphore, #tpu.memory_space<semaphore_mem>> -> memref<!tpu.dma_semaphore, #tpu.memory_space<semaphore_mem>>
    tpu.enqueue_indirect_dma source(%dma_start3A_134 : memref<100000x128xf32, #tpu.memory_space<hbm>>) target(%dma_start3A_129 : memref<96x128xf32, #tpu.memory_space<vmem>>) offsets(%dma_start3A_131 : memref<96xi32, #tpu.memory_space<vmem>>) semaphore(%dma_start3A_136 : memref<!tpu.dma_semaphore, #tpu.memory_space<semaphore_mem>>) {add = true}
    %dma_start3A_137 = arith.constant 1 : i32
    %dma_start3A_138 = arith.constant 1 : i32
    %dma_start3A_139 = arith.constant 112 : i32
    %dma_start3A_140 = arith.constant 0 : i32
    %dma_start3A_141 = tpu.memref_slice %arg7[%dma_start3A_137, %dma_start3A_139, %dma_start3A_140] : memref<4x200x128xf32, #tpu.memory_space<vmem>> -> memref<1x88x128xf32, #tpu.memory_space<vmem>>
    %dma_start3A_142 = tpu.memref_squeeze %dma_start3A_141 : memref<1x88x128xf32, #tpu.memory_space<vmem>> -> memref<88x128xf32, #tpu.memory_space<vmem>>
    %dma_start3A_143 = arith.constant 312 : i32
    %dma_start3A_144 = tpu.memref_slice %arg6[%dma_start3A_143] : memref<6400xi32, #tpu.memory_space<vmem>> -> memref<88xi32, #tpu.memory_space<vmem>>
    %dma_start3A_145 = arith.constant 0 : i32
    %dma_start3A_146 = arith.constant 0 : i32
    %dma_start3A_147 = tpu.memref_slice %arg4[%dma_start3A_145, %dma_start3A_146] : memref<100000x128xf32, #tpu.memory_space<hbm>> -> memref<100000x128xf32, #tpu.memory_space<hbm>>
    %dma_start3A_148 = tpu.memref_slice %arg10[%dma_start3A_138] : memref<4x!tpu.dma_semaphore, #tpu.memory_space<semaphore_mem>> -> memref<1x!tpu.dma_semaphore, #tpu.memory_space<semaphore_mem>>
    %dma_start3A_149 = tpu.memref_squeeze %dma_start3A_148 : memref<1x!tpu.dma_semaphore, #tpu.memory_space<semaphore_mem>> -> memref<!tpu.dma_semaphore, #tpu.memory_space<semaphore_mem>>
    tpu.enqueue_indirect_dma source(%dma_start3A_147 : memref<100000x128xf32, #tpu.memory_space<hbm>>) target(%dma_start3A_142 : memref<88x128xf32, #tpu.memory_space<vmem>>) offsets(%dma_start3A_144 : memref<88xi32, #tpu.memory_space<vmem>>) semaphore(%dma_start3A_149 : memref<!tpu.dma_semaphore, #tpu.memory_space<semaphore_mem>>) {add = true}
    %dma_wait3A_150 = arith.constant 0 : i32
    %dma_wait3A_151 = arith.constant 0 : i32
    %dma_wait3A_152 = arith.constant 16 : i32
    %dma_wait3A_153 = arith.constant 0 : i32
    %dma_wait3A_154 = tpu.memref_slice %arg7[%dma_wait3A_150, %dma_wait3A_152, %dma_wait3A_153] : memref<4x200x128xf32, #tpu.memory_space<vmem>> -> memref<1x96x128xf32, #tpu.memory_space<vmem>>
    %dma_wait3A_155 = tpu.memref_squeeze %dma_wait3A_154 : memref<1x96x128xf32, #tpu.memory_space<vmem>> -> memref<96x128xf32, #tpu.memory_space<vmem>>
    %dma_wait3A_156 = arith.constant 16 : i32
    %dma_wait3A_157 = tpu.memref_slice %arg6[%dma_wait3A_156] : memref<6400xi32, #tpu.memory_space<vmem>> -> memref<96xi32, #tpu.memory_space<vmem>>
    %dma_wait3A_158 = arith.constant 0 : i32
    %dma_wait3A_159 = arith.constant 0 : i32
    %dma_wait3A_160 = tpu.memref_slice %arg4[%dma_wait3A_158, %dma_wait3A_159] : memref<100000x128xf32, #tpu.memory_space<hbm>> -> memref<100000x128xf32, #tpu.memory_space<hbm>>
    %dma_wait3A_161 = tpu.memref_slice %arg10[%dma_wait3A_151] : memref<4x!tpu.dma_semaphore, #tpu.memory_space<semaphore_mem>> -> memref<1x!tpu.dma_semaphore, #tpu.memory_space<semaphore_mem>>
    %dma_wait3A_162 = tpu.memref_squeeze %dma_wait3A_161 : memref<1x!tpu.dma_semaphore, #tpu.memory_space<semaphore_mem>> -> memref<!tpu.dma_semaphore, #tpu.memory_space<semaphore_mem>>
    tpu.wait_indirect_dma semaphore(%dma_wait3A_162 : memref<!tpu.dma_semaphore, #tpu.memory_space<semaphore_mem>>) src(%dma_wait3A_160 : memref<100000x128xf32, #tpu.memory_space<hbm>>) dst(%dma_wait3A_155 : memref<96x128xf32, #tpu.memory_space<vmem>>)
    %dma_wait3A_163 = arith.constant 0 : i32
    %dma_wait3A_164 = arith.constant 0 : i32
    %dma_wait3A_165 = arith.constant 112 : i32
    %dma_wait3A_166 = arith.constant 0 : i32
    %dma_wait3A_167 = tpu.memref_slice %arg7[%dma_wait3A_163, %dma_wait3A_165, %dma_wait3A_166] : memref<4x200x128xf32, #tpu.memory_space<vmem>> -> memref<1x88x128xf32, #tpu.memory_space<vmem>>
    %dma_wait3A_168 = tpu.memref_squeeze %dma_wait3A_167 : memref<1x88x128xf32, #tpu.memory_space<vmem>> -> memref<88x128xf32, #tpu.memory_space<vmem>>
    %dma_wait3A_169 = arith.constant 112 : i32
    %dma_wait3A_170 = tpu.memref_slice %arg6[%dma_wait3A_169] : memref<6400xi32, #tpu.memory_space<vmem>> -> memref<88xi32, #tpu.memory_space<vmem>>
    %dma_wait3A_171 = arith.constant 0 : i32
    %dma_wait3A_172 = arith.constant 0 : i32
    %dma_wait3A_173 = tpu.memref_slice %arg4[%dma_wait3A_171, %dma_wait3A_172] : memref<100000x128xf32, #tpu.memory_space<hbm>> -> memref<100000x128xf32, #tpu.memory_space<hbm>>
    %dma_wait3A_174 = tpu.memref_slice %arg10[%dma_wait3A_164] : memref<4x!tpu.dma_semaphore, #tpu.memory_space<semaphore_mem>> -> memref<1x!tpu.dma_semaphore, #tpu.memory_space<semaphore_mem>>
    %dma_wait3A_175 = tpu.memref_squeeze %dma_wait3A_174 : memref<1x!tpu.dma_semaphore, #tpu.memory_space<semaphore_mem>> -> memref<!tpu.dma_semaphore, #tpu.memory_space<semaphore_mem>>
    tpu.wait_indirect_dma semaphore(%dma_wait3A_175 : memref<!tpu.dma_semaphore, #tpu.memory_space<semaphore_mem>>) src(%dma_wait3A_173 : memref<100000x128xf32, #tpu.memory_space<hbm>>) dst(%dma_wait3A_168 : memref<88x128xf32, #tpu.memory_space<vmem>>)
    %add3A_176 = arith.constant 0 : i32
    %add3A_177 = arith.addi %mul3A_2, %add3A_176 : i32
    %dma_start3A_178 = arith.constant 0 : i32
    %dma_start3A_179 = arith.constant 0 : i32
    %dma_start3A_180 = arith.constant 0 : i32
    %dma_start3A_181 = arith.constant 0 : i32
    %dma_start3A_182 = tpu.memref_slice %arg7[%dma_start3A_178, %dma_start3A_180, %dma_start3A_181] : memref<4x200x128xf32, #tpu.memory_space<vmem>> -> memref<1x200x128xf32, #tpu.memory_space<vmem>>
    %dma_start3A_183 = tpu.memref_squeeze %dma_start3A_182 : memref<1x200x128xf32, #tpu.memory_space<vmem>> -> memref<200x128xf32, #tpu.memory_space<vmem>>
    %dma_start3A_184 = arith.constant 0 : i32
    %dma_start3A_185 = arith.constant 0 : i32
    %dma_start3A_186 = tpu.memref_slice %arg5[%add3A_177, %dma_start3A_184, %dma_start3A_185] : memref<1024x200x128xf32, #tpu.memory_space<hbm>> -> memref<1x200x128xf32, #tpu.memory_space<hbm>>
    %dma_start3A_187 = tpu.memref_squeeze %dma_start3A_186 : memref<1x200x128xf32, #tpu.memory_space<hbm>> -> memref<200x128xf32, #tpu.memory_space<hbm>>
    %dma_start3A_188 = tpu.memref_slice %arg11[%dma_start3A_179] : memref<4x!tpu.dma_semaphore, #tpu.memory_space<semaphore_mem>> -> memref<1x!tpu.dma_semaphore, #tpu.memory_space<semaphore_mem>>
    %dma_start3A_189 = tpu.memref_squeeze %dma_start3A_188 : memref<1x!tpu.dma_semaphore, #tpu.memory_space<semaphore_mem>> -> memref<!tpu.dma_semaphore, #tpu.memory_space<semaphore_mem>>
    %dma_start3A_190 = arith.constant 0 : i32
    %dma_start3A_191 = arith.constant 0 : i32
    %dma_start3A_192 = tpu.memref_slice %arg5[%add3A_177, %dma_start3A_190, %dma_start3A_191] : memref<1024x200x128xf32, #tpu.memory_space<hbm>> -> memref<1x200x128xf32, #tpu.memory_space<hbm>>
    %dma_start3A_193 = tpu.memref_squeeze %dma_start3A_192 : memref<1x200x128xf32, #tpu.memory_space<hbm>> -> memref<200x128xf32, #tpu.memory_space<hbm>>
    %dma_start3A_194 = arith.constant 0 : i32
    %dma_start3A_195 = arith.constant 0 : i32
    %dma_start3A_196 = tpu.memref_slice %arg7[%dma_start3A_178, %dma_start3A_194, %dma_start3A_195] : memref<4x200x128xf32, #tpu.memory_space<vmem>> -> memref<1x200x128xf32, #tpu.memory_space<vmem>>
    %dma_start3A_197 = tpu.memref_squeeze %dma_start3A_196 : memref<1x200x128xf32, #tpu.memory_space<vmem>> -> memref<200x128xf32, #tpu.memory_space<vmem>>
    tpu.enqueue_dma source(%dma_start3A_197 : memref<200x128xf32, #tpu.memory_space<vmem>>) target(%dma_start3A_193 : memref<200x128xf32, #tpu.memory_space<hbm>>) target_semaphore(%dma_start3A_189 : memref<!tpu.dma_semaphore, #tpu.memory_space<semaphore_mem>>)
    %dma_start3A_198 = arith.constant 3 : i32
    %dma_start3A_199 = arith.constant 3 : i32
    %dma_start3A_200 = arith.constant 16 : i32
    %dma_start3A_201 = arith.constant 0 : i32
    %dma_start3A_202 = tpu.memref_slice %arg7[%dma_start3A_198, %dma_start3A_200, %dma_start3A_201] : memref<4x200x128xf32, #tpu.memory_space<vmem>> -> memref<1x184x128xf32, #tpu.memory_space<vmem>>
    %dma_start3A_203 = tpu.memref_squeeze %dma_start3A_202 : memref<1x184x128xf32, #tpu.memory_space<vmem>> -> memref<184x128xf32, #tpu.memory_space<vmem>>
    %dma_start3A_204 = arith.constant 16 : i32
    %dma_start3A_205 = arith.constant 0 : i32
    %dma_start3A_206 = tpu.memref_slice %arg8[%dma_start3A_204, %dma_start3A_205] : memref<200x128xf32, #tpu.memory_space<vmem_shared>> -> memref<184x128xf32, #tpu.memory_space<vmem_shared>>
    %dma_start3A_207 = tpu.memref_slice %arg9[%dma_start3A_199] : memref<4x!tpu.dma_semaphore, #tpu.memory_space<semaphore_mem>> -> memref<1x!tpu.dma_semaphore, #tpu.memory_space<semaphore_mem>>
    %dma_start3A_208 = tpu.memref_squeeze %dma_start3A_207 : memref<1x!tpu.dma_semaphore, #tpu.memory_space<semaphore_mem>> -> memref<!tpu.dma_semaphore, #tpu.memory_space<semaphore_mem>>
    %dma_start3A_209 = arith.constant 16 : i32
    %dma_start3A_210 = arith.constant 0 : i32
    %dma_start3A_211 = tpu.memref_slice %arg7[%dma_start3A_198, %dma_start3A_209, %dma_start3A_210] : memref<4x200x128xf32, #tpu.memory_space<vmem>> -> memref<1x184x128xf32, #tpu.memory_space<vmem>>
    %dma_start3A_212 = tpu.memref_squeeze %dma_start3A_211 : memref<1x184x128xf32, #tpu.memory_space<vmem>> -> memref<184x128xf32, #tpu.memory_space<vmem>>
    %dma_start3A_213 = arith.constant 16 : i32
    %dma_start3A_214 = arith.constant 0 : i32
    %dma_start3A_215 = tpu.memref_slice %arg8[%dma_start3A_213, %dma_start3A_214] : memref<200x128xf32, #tpu.memory_space<vmem_shared>> -> memref<184x128xf32, #tpu.memory_space<vmem_shared>>
    tpu.enqueue_dma source(%dma_start3A_215 : memref<184x128xf32, #tpu.memory_space<vmem_shared>>) target(%dma_start3A_212 : memref<184x128xf32, #tpu.memory_space<vmem>>) target_semaphore(%dma_start3A_208 : memref<!tpu.dma_semaphore, #tpu.memory_space<semaphore_mem>>)
    %dma_wait3A_216 = arith.constant 2 : i32
    %dma_wait3A_217 = arith.constant 2 : i32
    %dma_wait3A_218 = arith.constant 16 : i32
    %dma_wait3A_219 = arith.constant 0 : i32
    %dma_wait3A_220 = tpu.memref_slice %arg7[%dma_wait3A_216, %dma_wait3A_218, %dma_wait3A_219] : memref<4x200x128xf32, #tpu.memory_space<vmem>> -> memref<1x184x128xf32, #tpu.memory_space<vmem>>
    %dma_wait3A_221 = tpu.memref_squeeze %dma_wait3A_220 : memref<1x184x128xf32, #tpu.memory_space<vmem>> -> memref<184x128xf32, #tpu.memory_space<vmem>>
    %dma_wait3A_222 = arith.constant 16 : i32
    %dma_wait3A_223 = arith.constant 0 : i32
    %dma_wait3A_224 = tpu.memref_slice %arg8[%dma_wait3A_222, %dma_wait3A_223] : memref<200x128xf32, #tpu.memory_space<vmem_shared>> -> memref<184x128xf32, #tpu.memory_space<vmem_shared>>
    %dma_wait3A_225 = tpu.memref_slice %arg9[%dma_wait3A_217] : memref<4x!tpu.dma_semaphore, #tpu.memory_space<semaphore_mem>> -> memref<1x!tpu.dma_semaphore, #tpu.memory_space<semaphore_mem>>
    %dma_wait3A_226 = tpu.memref_squeeze %dma_wait3A_225 : memref<1x!tpu.dma_semaphore, #tpu.memory_space<semaphore_mem>> -> memref<!tpu.dma_semaphore, #tpu.memory_space<semaphore_mem>>
    %dma_wait3A_227 = arith.constant 16 : i32
    %dma_wait3A_228 = arith.constant 0 : i32
    %dma_wait3A_229 = tpu.memref_slice %arg7[%dma_wait3A_216, %dma_wait3A_227, %dma_wait3A_228] : memref<4x200x128xf32, #tpu.memory_space<vmem>> -> memref<1x184x128xf32, #tpu.memory_space<vmem>>
    %dma_wait3A_230 = tpu.memref_squeeze %dma_wait3A_229 : memref<1x184x128xf32, #tpu.memory_space<vmem>> -> memref<184x128xf32, #tpu.memory_space<vmem>>
    %dma_wait3A_231 = arith.constant 16 : i32
    %dma_wait3A_232 = arith.constant 0 : i32
    %dma_wait3A_233 = tpu.memref_slice %arg8[%dma_wait3A_231, %dma_wait3A_232] : memref<200x128xf32, #tpu.memory_space<vmem_shared>> -> memref<184x128xf32, #tpu.memory_space<vmem_shared>>
    tpu.wait_dma2 semaphore(%dma_wait3A_226 : memref<!tpu.dma_semaphore, #tpu.memory_space<semaphore_mem>>) src(%dma_wait3A_233 : memref<184x128xf32, #tpu.memory_space<vmem_shared>>) dst(%dma_wait3A_230 : memref<184x128xf32, #tpu.memory_space<vmem>>)
    %dma_start3A_234 = arith.constant 2 : i32
    %dma_start3A_235 = arith.constant 2 : i32
    %dma_start3A_236 = arith.constant 16 : i32
    %dma_start3A_237 = arith.constant 0 : i32
    %dma_start3A_238 = tpu.memref_slice %arg7[%dma_start3A_234, %dma_start3A_236, %dma_start3A_237] : memref<4x200x128xf32, #tpu.memory_space<vmem>> -> memref<1x96x128xf32, #tpu.memory_space<vmem>>
    %dma_start3A_239 = tpu.memref_squeeze %dma_start3A_238 : memref<1x96x128xf32, #tpu.memory_space<vmem>> -> memref<96x128xf32, #tpu.memory_space<vmem>>
    %dma_start3A_240 = arith.constant 416 : i32
    %dma_start3A_241 = tpu.memref_slice %arg6[%dma_start3A_240] : memref<6400xi32, #tpu.memory_space<vmem>> -> memref<96xi32, #tpu.memory_space<vmem>>
    %dma_start3A_242 = arith.constant 0 : i32
    %dma_start3A_243 = arith.constant 0 : i32
    %dma_start3A_244 = tpu.memref_slice %arg4[%dma_start3A_242, %dma_start3A_243] : memref<100000x128xf32, #tpu.memory_space<hbm>> -> memref<100000x128xf32, #tpu.memory_space<hbm>>
    %dma_start3A_245 = tpu.memref_slice %arg10[%dma_start3A_235] : memref<4x!tpu.dma_semaphore, #tpu.memory_space<semaphore_mem>> -> memref<1x!tpu.dma_semaphore, #tpu.memory_space<semaphore_mem>>
    %dma_start3A_246 = tpu.memref_squeeze %dma_start3A_245 : memref<1x!tpu.dma_semaphore, #tpu.memory_space<semaphore_mem>> -> memref<!tpu.dma_semaphore, #tpu.memory_space<semaphore_mem>>
    tpu.enqueue_indirect_dma source(%dma_start3A_244 : memref<100000x128xf32, #tpu.memory_space<hbm>>) target(%dma_start3A_239 : memref<96x128xf32, #tpu.memory_space<vmem>>) offsets(%dma_start3A_241 : memref<96xi32, #tpu.memory_space<vmem>>) semaphore(%dma_start3A_246 : memref<!tpu.dma_semaphore, #tpu.memory_space<semaphore_mem>>) {add = true}
    %dma_start3A_247 = arith.constant 2 : i32
    %dma_start3A_248 = arith.constant 2 : i32
    %dma_start3A_249 = arith.constant 112 : i32
    %dma_start3A_250 = arith.constant 0 : i32
    %dma_start3A_251 = tpu.memref_slice %arg7[%dma_start3A_247, %dma_start3A_249, %dma_start3A_250] : memref<4x200x128xf32, #tpu.memory_space<vmem>> -> memref<1x88x128xf32, #tpu.memory_space<vmem>>
    %dma_start3A_252 = tpu.memref_squeeze %dma_start3A_251 : memref<1x88x128xf32, #tpu.memory_space<vmem>> -> memref<88x128xf32, #tpu.memory_space<vmem>>
    %dma_start3A_253 = arith.constant 512 : i32
    %dma_start3A_254 = tpu.memref_slice %arg6[%dma_start3A_253] : memref<6400xi32, #tpu.memory_space<vmem>> -> memref<88xi32, #tpu.memory_space<vmem>>
    %dma_start3A_255 = arith.constant 0 : i32
    %dma_start3A_256 = arith.constant 0 : i32
    %dma_start3A_257 = tpu.memref_slice %arg4[%dma_start3A_255, %dma_start3A_256] : memref<100000x128xf32, #tpu.memory_space<hbm>> -> memref<100000x128xf32, #tpu.memory_space<hbm>>
    %dma_start3A_258 = tpu.memref_slice %arg10[%dma_start3A_248] : memref<4x!tpu.dma_semaphore, #tpu.memory_space<semaphore_mem>> -> memref<1x!tpu.dma_semaphore, #tpu.memory_space<semaphore_mem>>
    %dma_start3A_259 = tpu.memref_squeeze %dma_start3A_258 : memref<1x!tpu.dma_semaphore, #tpu.memory_space<semaphore_mem>> -> memref<!tpu.dma_semaphore, #tpu.memory_space<semaphore_mem>>
    tpu.enqueue_indirect_dma source(%dma_start3A_257 : memref<100000x128xf32, #tpu.memory_space<hbm>>) target(%dma_start3A_252 : memref<88x128xf32, #tpu.memory_space<vmem>>) offsets(%dma_start3A_254 : memref<88xi32, #tpu.memory_space<vmem>>) semaphore(%dma_start3A_259 : memref<!tpu.dma_semaphore, #tpu.memory_space<semaphore_mem>>) {add = true}
    %dma_wait3A_260 = arith.constant 1 : i32
    %dma_wait3A_261 = arith.constant 1 : i32
    %dma_wait3A_262 = arith.constant 16 : i32
    %dma_wait3A_263 = arith.constant 0 : i32
    %dma_wait3A_264 = tpu.memref_slice %arg7[%dma_wait3A_260, %dma_wait3A_262, %dma_wait3A_263] : memref<4x200x128xf32, #tpu.memory_space<vmem>> -> memref<1x96x128xf32, #tpu.memory_space<vmem>>
    %dma_wait3A_265 = tpu.memref_squeeze %dma_wait3A_264 : memref<1x96x128xf32, #tpu.memory_space<vmem>> -> memref<96x128xf32, #tpu.memory_space<vmem>>
    %dma_wait3A_266 = arith.constant 216 : i32
    %dma_wait3A_267 = tpu.memref_slice %arg6[%dma_wait3A_266] : memref<6400xi32, #tpu.memory_space<vmem>> -> memref<96xi32, #tpu.memory_space<vmem>>
    %dma_wait3A_268 = arith.constant 0 : i32
    %dma_wait3A_269 = arith.constant 0 : i32
    %dma_wait3A_270 = tpu.memref_slice %arg4[%dma_wait3A_268, %dma_wait3A_269] : memref<100000x128xf32, #tpu.memory_space<hbm>> -> memref<100000x128xf32, #tpu.memory_space<hbm>>
    %dma_wait3A_271 = tpu.memref_slice %arg10[%dma_wait3A_261] : memref<4x!tpu.dma_semaphore, #tpu.memory_space<semaphore_mem>> -> memref<1x!tpu.dma_semaphore, #tpu.memory_space<semaphore_mem>>
    %dma_wait3A_272 = tpu.memref_squeeze %dma_wait3A_271 : memref<1x!tpu.dma_semaphore, #tpu.memory_space<semaphore_mem>> -> memref<!tpu.dma_semaphore, #tpu.memory_space<semaphore_mem>>
    tpu.wait_indirect_dma semaphore(%dma_wait3A_272 : memref<!tpu.dma_semaphore, #tpu.memory_space<semaphore_mem>>) src(%dma_wait3A_270 : memref<100000x128xf32, #tpu.memory_space<hbm>>) dst(%dma_wait3A_265 : memref<96x128xf32, #tpu.memory_space<vmem>>)
    %dma_wait3A_273 = arith.constant 1 : i32
    %dma_wait3A_274 = arith.constant 1 : i32
    %dma_wait3A_275 = arith.constant 112 : i32
    %dma_wait3A_276 = arith.constant 0 : i32
    %dma_wait3A_277 = tpu.memref_slice %arg7[%dma_wait3A_273, %dma_wait3A_275, %dma_wait3A_276] : memref<4x200x128xf32, #tpu.memory_space<vmem>> -> memref<1x88x128xf32, #tpu.memory_space<vmem>>
    %dma_wait3A_278 = tpu.memref_squeeze %dma_wait3A_277 : memref<1x88x128xf32, #tpu.memory_space<vmem>> -> memref<88x128xf32, #tpu.memory_space<vmem>>
    %dma_wait3A_279 = arith.constant 312 : i32
    %dma_wait3A_280 = tpu.memref_slice %arg6[%dma_wait3A_279] : memref<6400xi32, #tpu.memory_space<vmem>> -> memref<88xi32, #tpu.memory_space<vmem>>
    %dma_wait3A_281 = arith.constant 0 : i32
    %dma_wait3A_282 = arith.constant 0 : i32
    %dma_wait3A_283 = tpu.memref_slice %arg4[%dma_wait3A_281, %dma_wait3A_282] : memref<100000x128xf32, #tpu.memory_space<hbm>> -> memref<100000x128xf32, #tpu.memory_space<hbm>>
    %dma_wait3A_284 = tpu.memref_slice %arg10[%dma_wait3A_274] : memref<4x!tpu.dma_semaphore, #tpu.memory_space<semaphore_mem>> -> memref<1x!tpu.dma_semaphore, #tpu.memory_space<semaphore_mem>>
    %dma_wait3A_285 = tpu.memref_squeeze %dma_wait3A_284 : memref<1x!tpu.dma_semaphore, #tpu.memory_space<semaphore_mem>> -> memref<!tpu.dma_semaphore, #tpu.memory_space<semaphore_mem>>
    tpu.wait_indirect_dma semaphore(%dma_wait3A_285 : memref<!tpu.dma_semaphore, #tpu.memory_space<semaphore_mem>>) src(%dma_wait3A_283 : memref<100000x128xf32, #tpu.memory_space<hbm>>) dst(%dma_wait3A_278 : memref<88x128xf32, #tpu.memory_space<vmem>>)
    %add3A_286 = arith.constant 1 : i32
    %add3A_287 = arith.addi %mul3A_2, %add3A_286 : i32
    %dma_start3A_288 = arith.constant 1 : i32
    %dma_start3A_289 = arith.constant 1 : i32
    %dma_start3A_290 = arith.constant 0 : i32
    %dma_start3A_291 = arith.constant 0 : i32
    %dma_start3A_292 = tpu.memref_slice %arg7[%dma_start3A_288, %dma_start3A_290, %dma_start3A_291] : memref<4x200x128xf32, #tpu.memory_space<vmem>> -> memref<1x200x128xf32, #tpu.memory_space<vmem>>
    %dma_start3A_293 = tpu.memref_squeeze %dma_start3A_292 : memref<1x200x128xf32, #tpu.memory_space<vmem>> -> memref<200x128xf32, #tpu.memory_space<vmem>>
    %dma_start3A_294 = arith.constant 0 : i32
    %dma_start3A_295 = arith.constant 0 : i32
    %dma_start3A_296 = tpu.memref_slice %arg5[%add3A_287, %dma_start3A_294, %dma_start3A_295] : memref<1024x200x128xf32, #tpu.memory_space<hbm>> -> memref<1x200x128xf32, #tpu.memory_space<hbm>>
    %dma_start3A_297 = tpu.memref_squeeze %dma_start3A_296 : memref<1x200x128xf32, #tpu.memory_space<hbm>> -> memref<200x128xf32, #tpu.memory_space<hbm>>
    %dma_start3A_298 = tpu.memref_slice %arg11[%dma_start3A_289] : memref<4x!tpu.dma_semaphore, #tpu.memory_space<semaphore_mem>> -> memref<1x!tpu.dma_semaphore, #tpu.memory_space<semaphore_mem>>
    %dma_start3A_299 = tpu.memref_squeeze %dma_start3A_298 : memref<1x!tpu.dma_semaphore, #tpu.memory_space<semaphore_mem>> -> memref<!tpu.dma_semaphore, #tpu.memory_space<semaphore_mem>>
    %dma_start3A_300 = arith.constant 0 : i32
    %dma_start3A_301 = arith.constant 0 : i32
    %dma_start3A_302 = tpu.memref_slice %arg5[%add3A_287, %dma_start3A_300, %dma_start3A_301] : memref<1024x200x128xf32, #tpu.memory_space<hbm>> -> memref<1x200x128xf32, #tpu.memory_space<hbm>>
    %dma_start3A_303 = tpu.memref_squeeze %dma_start3A_302 : memref<1x200x128xf32, #tpu.memory_space<hbm>> -> memref<200x128xf32, #tpu.memory_space<hbm>>
    %dma_start3A_304 = arith.constant 0 : i32
    %dma_start3A_305 = arith.constant 0 : i32
    %dma_start3A_306 = tpu.memref_slice %arg7[%dma_start3A_288, %dma_start3A_304, %dma_start3A_305] : memref<4x200x128xf32, #tpu.memory_space<vmem>> -> memref<1x200x128xf32, #tpu.memory_space<vmem>>
    %dma_start3A_307 = tpu.memref_squeeze %dma_start3A_306 : memref<1x200x128xf32, #tpu.memory_space<vmem>> -> memref<200x128xf32, #tpu.memory_space<vmem>>
    tpu.enqueue_dma source(%dma_start3A_307 : memref<200x128xf32, #tpu.memory_space<vmem>>) target(%dma_start3A_303 : memref<200x128xf32, #tpu.memory_space<hbm>>) target_semaphore(%dma_start3A_299 : memref<!tpu.dma_semaphore, #tpu.memory_space<semaphore_mem>>)
    %scan3A = arith.constant 0 : i32
    %scan3A_308 = arith.constant 4 : i32
    %scan3A_309 = arith.constant 28 : i32
    %scan3A_310 = arith.addi %scan3A_308, %scan3A_309 : i32
    %scan3A_311 = arith.constant 1 : i32
    scf.for %scan3A_557 = %scan3A_308 to %scan3A_310 step %scan3A_311  : i32 {
      %rem3A = arith.constant 4 : i32
      %rem3A_558 = arith.remsi %scan3A_557, %rem3A : i32
      %dma_wait3A_559 = arith.constant 0 : i32
      %dma_wait3A_560 = arith.constant 0 : i32
      %dma_wait3A_561 = arith.constant 0 : i32
      %dma_wait3A_562 = arith.constant 0 : i32
      %dma_wait3A_563 = tpu.memref_slice %arg7[%dma_wait3A_559, %dma_wait3A_561, %dma_wait3A_562] : memref<4x200x128xf32, #tpu.memory_space<vmem>> -> memref<1x200x128xf32, #tpu.memory_space<vmem>>
      %dma_wait3A_564 = tpu.memref_squeeze %dma_wait3A_563 : memref<1x200x128xf32, #tpu.memory_space<vmem>> -> memref<200x128xf32, #tpu.memory_space<vmem>>
      %dma_wait3A_565 = arith.constant 0 : i32
      %dma_wait3A_566 = arith.constant 0 : i32
      %dma_wait3A_567 = tpu.memref_slice %arg5[%dma_wait3A_560, %dma_wait3A_565, %dma_wait3A_566] : memref<1024x200x128xf32, #tpu.memory_space<hbm>> -> memref<1x200x128xf32, #tpu.memory_space<hbm>>
      %dma_wait3A_568 = tpu.memref_squeeze %dma_wait3A_567 : memref<1x200x128xf32, #tpu.memory_space<hbm>> -> memref<200x128xf32, #tpu.memory_space<hbm>>
      %dma_wait3A_569 = tpu.memref_slice %arg11[%rem3A_558] : memref<4x!tpu.dma_semaphore, #tpu.memory_space<semaphore_mem>> -> memref<1x!tpu.dma_semaphore, #tpu.memory_space<semaphore_mem>>
      %dma_wait3A_570 = tpu.memref_squeeze %dma_wait3A_569 : memref<1x!tpu.dma_semaphore, #tpu.memory_space<semaphore_mem>> -> memref<!tpu.dma_semaphore, #tpu.memory_space<semaphore_mem>>
      %dma_wait3A_571 = arith.constant 0 : i32
      %dma_wait3A_572 = arith.constant 0 : i32
      %dma_wait3A_573 = tpu.memref_slice %arg5[%dma_wait3A_560, %dma_wait3A_571, %dma_wait3A_572] : memref<1024x200x128xf32, #tpu.memory_space<hbm>> -> memref<1x200x128xf32, #tpu.memory_space<hbm>>
      %dma_wait3A_574 = tpu.memref_squeeze %dma_wait3A_573 : memref<1x200x128xf32, #tpu.memory_space<hbm>> -> memref<200x128xf32, #tpu.memory_space<hbm>>
      %dma_wait3A_575 = arith.constant 0 : i32
      %dma_wait3A_576 = arith.constant 0 : i32
      %dma_wait3A_577 = tpu.memref_slice %arg7[%dma_wait3A_559, %dma_wait3A_575, %dma_wait3A_576] : memref<4x200x128xf32, #tpu.memory_space<vmem>> -> memref<1x200x128xf32, #tpu.memory_space<vmem>>
      %dma_wait3A_578 = tpu.memref_squeeze %dma_wait3A_577 : memref<1x200x128xf32, #tpu.memory_space<vmem>> -> memref<200x128xf32, #tpu.memory_space<vmem>>
      tpu.wait_dma2 semaphore(%dma_wait3A_570 : memref<!tpu.dma_semaphore, #tpu.memory_space<semaphore_mem>>) src(%dma_wait3A_578 : memref<200x128xf32, #tpu.memory_space<vmem>>) dst(%dma_wait3A_574 : memref<200x128xf32, #tpu.memory_space<hbm>>)
      %dma_start3A_579 = arith.constant 16 : i32
      %dma_start3A_580 = arith.constant 0 : i32
      %dma_start3A_581 = tpu.memref_slice %arg7[%rem3A_558, %dma_start3A_579, %dma_start3A_580] : memref<4x200x128xf32, #tpu.memory_space<vmem>> -> memref<1x184x128xf32, #tpu.memory_space<vmem>>
      %dma_start3A_582 = tpu.memref_squeeze %dma_start3A_581 : memref<1x184x128xf32, #tpu.memory_space<vmem>> -> memref<184x128xf32, #tpu.memory_space<vmem>>
      %dma_start3A_583 = arith.constant 16 : i32
      %dma_start3A_584 = arith.constant 0 : i32
      %dma_start3A_585 = tpu.memref_slice %arg8[%dma_start3A_583, %dma_start3A_584] : memref<200x128xf32, #tpu.memory_space<vmem_shared>> -> memref<184x128xf32, #tpu.memory_space<vmem_shared>>
      %dma_start3A_586 = tpu.memref_slice %arg9[%rem3A_558] : memref<4x!tpu.dma_semaphore, #tpu.memory_space<semaphore_mem>> -> memref<1x!tpu.dma_semaphore, #tpu.memory_space<semaphore_mem>>
      %dma_start3A_587 = tpu.memref_squeeze %dma_start3A_586 : memref<1x!tpu.dma_semaphore, #tpu.memory_space<semaphore_mem>> -> memref<!tpu.dma_semaphore, #tpu.memory_space<semaphore_mem>>
      %dma_start3A_588 = arith.constant 16 : i32
      %dma_start3A_589 = arith.constant 0 : i32
      %dma_start3A_590 = tpu.memref_slice %arg7[%rem3A_558, %dma_start3A_588, %dma_start3A_589] : memref<4x200x128xf32, #tpu.memory_space<vmem>> -> memref<1x184x128xf32, #tpu.memory_space<vmem>>
      %dma_start3A_591 = tpu.memref_squeeze %dma_start3A_590 : memref<1x184x128xf32, #tpu.memory_space<vmem>> -> memref<184x128xf32, #tpu.memory_space<vmem>>
      %dma_start3A_592 = arith.constant 16 : i32
      %dma_start3A_593 = arith.constant 0 : i32
      %dma_start3A_594 = tpu.memref_slice %arg8[%dma_start3A_592, %dma_start3A_593] : memref<200x128xf32, #tpu.memory_space<vmem_shared>> -> memref<184x128xf32, #tpu.memory_space<vmem_shared>>
      tpu.enqueue_dma source(%dma_start3A_594 : memref<184x128xf32, #tpu.memory_space<vmem_shared>>) target(%dma_start3A_591 : memref<184x128xf32, #tpu.memory_space<vmem>>) target_semaphore(%dma_start3A_587 : memref<!tpu.dma_semaphore, #tpu.memory_space<semaphore_mem>>)
      %sub3A = arith.constant 1 : i32
      %sub3A_595 = arith.subi %scan3A_557, %sub3A : i32
      %rem3A_596 = arith.constant 4 : i32
      %rem3A_597 = arith.remsi %sub3A_595, %rem3A_596 : i32
      %dma_wait3A_598 = arith.constant 0 : i32
      %dma_wait3A_599 = arith.constant 16 : i32
      %dma_wait3A_600 = arith.constant 0 : i32
      %dma_wait3A_601 = tpu.memref_slice %arg7[%dma_wait3A_598, %dma_wait3A_599, %dma_wait3A_600] : memref<4x200x128xf32, #tpu.memory_space<vmem>> -> memref<1x184x128xf32, #tpu.memory_space<vmem>>
      %dma_wait3A_602 = tpu.memref_squeeze %dma_wait3A_601 : memref<1x184x128xf32, #tpu.memory_space<vmem>> -> memref<184x128xf32, #tpu.memory_space<vmem>>
      %dma_wait3A_603 = arith.constant 16 : i32
      %dma_wait3A_604 = arith.constant 0 : i32
      %dma_wait3A_605 = tpu.memref_slice %arg8[%dma_wait3A_603, %dma_wait3A_604] : memref<200x128xf32, #tpu.memory_space<vmem_shared>> -> memref<184x128xf32, #tpu.memory_space<vmem_shared>>
      %dma_wait3A_606 = tpu.memref_slice %arg9[%rem3A_597] : memref<4x!tpu.dma_semaphore, #tpu.memory_space<semaphore_mem>> -> memref<1x!tpu.dma_semaphore, #tpu.memory_space<semaphore_mem>>
      %dma_wait3A_607 = tpu.memref_squeeze %dma_wait3A_606 : memref<1x!tpu.dma_semaphore, #tpu.memory_space<semaphore_mem>> -> memref<!tpu.dma_semaphore, #tpu.memory_space<semaphore_mem>>
      %dma_wait3A_608 = arith.constant 16 : i32
      %dma_wait3A_609 = arith.constant 0 : i32
      %dma_wait3A_610 = tpu.memref_slice %arg7[%dma_wait3A_598, %dma_wait3A_608, %dma_wait3A_609] : memref<4x200x128xf32, #tpu.memory_space<vmem>> -> memref<1x184x128xf32, #tpu.memory_space<vmem>>
      %dma_wait3A_611 = tpu.memref_squeeze %dma_wait3A_610 : memref<1x184x128xf32, #tpu.memory_space<vmem>> -> memref<184x128xf32, #tpu.memory_space<vmem>>
      %dma_wait3A_612 = arith.constant 16 : i32
      %dma_wait3A_613 = arith.constant 0 : i32
      %dma_wait3A_614 = tpu.memref_slice %arg8[%dma_wait3A_612, %dma_wait3A_613] : memref<200x128xf32, #tpu.memory_space<vmem_shared>> -> memref<184x128xf32, #tpu.memory_space<vmem_shared>>
      tpu.wait_dma2 semaphore(%dma_wait3A_607 : memref<!tpu.dma_semaphore, #tpu.memory_space<semaphore_mem>>) src(%dma_wait3A_614 : memref<184x128xf32, #tpu.memory_space<vmem_shared>>) dst(%dma_wait3A_611 : memref<184x128xf32, #tpu.memory_space<vmem>>)
      %sub3A_615 = arith.constant 1 : i32
      %sub3A_616 = arith.subi %scan3A_557, %sub3A_615 : i32
      %mul3A_617 = arith.constant 200 : i32
      %mul3A_618 = arith.muli %sub3A_616, %mul3A_617 : i32
      %add3A_619 = arith.constant 16 : i32
      %add3A_620 = arith.addi %mul3A_618, %add3A_619 : i32
      %dma_start3A_621 = arith.constant 16 : i32
      %dma_start3A_622 = arith.constant 0 : i32
      %dma_start3A_623 = tpu.memref_slice %arg7[%rem3A_597, %dma_start3A_621, %dma_start3A_622] : memref<4x200x128xf32, #tpu.memory_space<vmem>> -> memref<1x96x128xf32, #tpu.memory_space<vmem>>
      %dma_start3A_624 = tpu.memref_squeeze %dma_start3A_623 : memref<1x96x128xf32, #tpu.memory_space<vmem>> -> memref<96x128xf32, #tpu.memory_space<vmem>>
      %dma_start3A_625 = tpu.memref_slice %arg6[%add3A_620] : memref<6400xi32, #tpu.memory_space<vmem>> -> memref<96xi32, #tpu.memory_space<vmem>>
      %dma_start3A_626 = arith.constant 0 : i32
      %dma_start3A_627 = arith.constant 0 : i32
      %dma_start3A_628 = tpu.memref_slice %arg4[%dma_start3A_626, %dma_start3A_627] : memref<100000x128xf32, #tpu.memory_space<hbm>> -> memref<100000x128xf32, #tpu.memory_space<hbm>>
      %dma_start3A_629 = tpu.memref_slice %arg10[%rem3A_597] : memref<4x!tpu.dma_semaphore, #tpu.memory_space<semaphore_mem>> -> memref<1x!tpu.dma_semaphore, #tpu.memory_space<semaphore_mem>>
      %dma_start3A_630 = tpu.memref_squeeze %dma_start3A_629 : memref<1x!tpu.dma_semaphore, #tpu.memory_space<semaphore_mem>> -> memref<!tpu.dma_semaphore, #tpu.memory_space<semaphore_mem>>
      tpu.enqueue_indirect_dma source(%dma_start3A_628 : memref<100000x128xf32, #tpu.memory_space<hbm>>) target(%dma_start3A_624 : memref<96x128xf32, #tpu.memory_space<vmem>>) offsets(%dma_start3A_625 : memref<96xi32, #tpu.memory_space<vmem>>) semaphore(%dma_start3A_630 : memref<!tpu.dma_semaphore, #tpu.memory_space<semaphore_mem>>) {add = true}
      %mul3A_631 = arith.constant 200 : i32
      %mul3A_632 = arith.muli %sub3A_616, %mul3A_631 : i32
      %add3A_633 = arith.constant 112 : i32
      %add3A_634 = arith.addi %mul3A_632, %add3A_633 : i32
      %dma_start3A_635 = arith.constant 112 : i32
      %dma_start3A_636 = arith.constant 0 : i32
      %dma_start3A_637 = tpu.memref_slice %arg7[%rem3A_597, %dma_start3A_635, %dma_start3A_636] : memref<4x200x128xf32, #tpu.memory_space<vmem>> -> memref<1x88x128xf32, #tpu.memory_space<vmem>>
      %dma_start3A_638 = tpu.memref_squeeze %dma_start3A_637 : memref<1x88x128xf32, #tpu.memory_space<vmem>> -> memref<88x128xf32, #tpu.memory_space<vmem>>
      %dma_start3A_639 = tpu.memref_slice %arg6[%add3A_634] : memref<6400xi32, #tpu.memory_space<vmem>> -> memref<88xi32, #tpu.memory_space<vmem>>
      %dma_start3A_640 = arith.constant 0 : i32
      %dma_start3A_641 = arith.constant 0 : i32
      %dma_start3A_642 = tpu.memref_slice %arg4[%dma_start3A_640, %dma_start3A_641] : memref<100000x128xf32, #tpu.memory_space<hbm>> -> memref<100000x128xf32, #tpu.memory_space<hbm>>
      %dma_start3A_643 = tpu.memref_slice %arg10[%rem3A_597] : memref<4x!tpu.dma_semaphore, #tpu.memory_space<semaphore_mem>> -> memref<1x!tpu.dma_semaphore, #tpu.memory_space<semaphore_mem>>
      %dma_start3A_644 = tpu.memref_squeeze %dma_start3A_643 : memref<1x!tpu.dma_semaphore, #tpu.memory_space<semaphore_mem>> -> memref<!tpu.dma_semaphore, #tpu.memory_space<semaphore_mem>>
      tpu.enqueue_indirect_dma source(%dma_start3A_642 : memref<100000x128xf32, #tpu.memory_space<hbm>>) target(%dma_start3A_638 : memref<88x128xf32, #tpu.memory_space<vmem>>) offsets(%dma_start3A_639 : memref<88xi32, #tpu.memory_space<vmem>>) semaphore(%dma_start3A_644 : memref<!tpu.dma_semaphore, #tpu.memory_space<semaphore_mem>>) {add = true}
      %sub3A_645 = arith.constant 2 : i32
      %sub3A_646 = arith.subi %scan3A_557, %sub3A_645 : i32
      %rem3A_647 = arith.constant 4 : i32
      %rem3A_648 = arith.remsi %sub3A_646, %rem3A_647 : i32
      %dma_wait3A_649 = arith.constant 0 : i32
      %dma_wait3A_650 = arith.constant 16 : i32
      %dma_wait3A_651 = arith.constant 0 : i32
      %dma_wait3A_652 = tpu.memref_slice %arg7[%dma_wait3A_649, %dma_wait3A_650, %dma_wait3A_651] : memref<4x200x128xf32, #tpu.memory_space<vmem>> -> memref<1x96x128xf32, #tpu.memory_space<vmem>>
      %dma_wait3A_653 = tpu.memref_squeeze %dma_wait3A_652 : memref<1x96x128xf32, #tpu.memory_space<vmem>> -> memref<96x128xf32, #tpu.memory_space<vmem>>
      %dma_wait3A_654 = arith.constant 0 : i32
      %dma_wait3A_655 = arith.constant 0 : i32
      %dma_wait3A_656 = tpu.memref_slice %arg4[%dma_wait3A_654, %dma_wait3A_655] : memref<100000x128xf32, #tpu.memory_space<hbm>> -> memref<96x128xf32, #tpu.memory_space<hbm>>
      %dma_wait3A_657 = tpu.memref_slice %arg10[%rem3A_648] : memref<4x!tpu.dma_semaphore, #tpu.memory_space<semaphore_mem>> -> memref<1x!tpu.dma_semaphore, #tpu.memory_space<semaphore_mem>>
      %dma_wait3A_658 = tpu.memref_squeeze %dma_wait3A_657 : memref<1x!tpu.dma_semaphore, #tpu.memory_space<semaphore_mem>> -> memref<!tpu.dma_semaphore, #tpu.memory_space<semaphore_mem>>
      %dma_wait3A_659 = arith.constant 16 : i32
      %dma_wait3A_660 = arith.constant 0 : i32
      %dma_wait3A_661 = tpu.memref_slice %arg7[%dma_wait3A_649, %dma_wait3A_659, %dma_wait3A_660] : memref<4x200x128xf32, #tpu.memory_space<vmem>> -> memref<1x96x128xf32, #tpu.memory_space<vmem>>
      %dma_wait3A_662 = tpu.memref_squeeze %dma_wait3A_661 : memref<1x96x128xf32, #tpu.memory_space<vmem>> -> memref<96x128xf32, #tpu.memory_space<vmem>>
      %dma_wait3A_663 = arith.constant 0 : i32
      %dma_wait3A_664 = arith.constant 0 : i32
      %dma_wait3A_665 = tpu.memref_slice %arg4[%dma_wait3A_663, %dma_wait3A_664] : memref<100000x128xf32, #tpu.memory_space<hbm>> -> memref<96x128xf32, #tpu.memory_space<hbm>>
      tpu.wait_dma2 semaphore(%dma_wait3A_658 : memref<!tpu.dma_semaphore, #tpu.memory_space<semaphore_mem>>) src(%dma_wait3A_665 : memref<96x128xf32, #tpu.memory_space<hbm>>) dst(%dma_wait3A_662 : memref<96x128xf32, #tpu.memory_space<vmem>>)
      %dma_wait3A_666 = arith.constant 0 : i32
      %dma_wait3A_667 = arith.constant 112 : i32
      %dma_wait3A_668 = arith.constant 0 : i32
      %dma_wait3A_669 = tpu.memref_slice %arg7[%dma_wait3A_666, %dma_wait3A_667, %dma_wait3A_668] : memref<4x200x128xf32, #tpu.memory_space<vmem>> -> memref<1x88x128xf32, #tpu.memory_space<vmem>>
      %dma_wait3A_670 = tpu.memref_squeeze %dma_wait3A_669 : memref<1x88x128xf32, #tpu.memory_space<vmem>> -> memref<88x128xf32, #tpu.memory_space<vmem>>
      %dma_wait3A_671 = arith.constant 0 : i32
      %dma_wait3A_672 = arith.constant 0 : i32
      %dma_wait3A_673 = tpu.memref_slice %arg4[%dma_wait3A_671, %dma_wait3A_672] : memref<100000x128xf32, #tpu.memory_space<hbm>> -> memref<88x128xf32, #tpu.memory_space<hbm>>
      %dma_wait3A_674 = tpu.memref_slice %arg10[%rem3A_648] : memref<4x!tpu.dma_semaphore, #tpu.memory_space<semaphore_mem>> -> memref<1x!tpu.dma_semaphore, #tpu.memory_space<semaphore_mem>>
      %dma_wait3A_675 = tpu.memref_squeeze %dma_wait3A_674 : memref<1x!tpu.dma_semaphore, #tpu.memory_space<semaphore_mem>> -> memref<!tpu.dma_semaphore, #tpu.memory_space<semaphore_mem>>
      %dma_wait3A_676 = arith.constant 112 : i32
      %dma_wait3A_677 = arith.constant 0 : i32
      %dma_wait3A_678 = tpu.memref_slice %arg7[%dma_wait3A_666, %dma_wait3A_676, %dma_wait3A_677] : memref<4x200x128xf32, #tpu.memory_space<vmem>> -> memref<1x88x128xf32, #tpu.memory_space<vmem>>
      %dma_wait3A_679 = tpu.memref_squeeze %dma_wait3A_678 : memref<1x88x128xf32, #tpu.memory_space<vmem>> -> memref<88x128xf32, #tpu.memory_space<vmem>>
      %dma_wait3A_680 = arith.constant 0 : i32
      %dma_wait3A_681 = arith.constant 0 : i32
      %dma_wait3A_682 = tpu.memref_slice %arg4[%dma_wait3A_680, %dma_wait3A_681] : memref<100000x128xf32, #tpu.memory_space<hbm>> -> memref<88x128xf32, #tpu.memory_space<hbm>>
      tpu.wait_dma2 semaphore(%dma_wait3A_675 : memref<!tpu.dma_semaphore, #tpu.memory_space<semaphore_mem>>) src(%dma_wait3A_682 : memref<88x128xf32, #tpu.memory_space<hbm>>) dst(%dma_wait3A_679 : memref<88x128xf32, #tpu.memory_space<vmem>>)
      %sub3A_683 = arith.constant 2 : i32
      %sub3A_684 = arith.subi %scan3A_557, %sub3A_683 : i32
      %add3A_685 = arith.addi %mul3A_2, %sub3A_684 : i32
      %dma_start3A_686 = arith.constant 0 : i32
      %dma_start3A_687 = arith.constant 0 : i32
      %dma_start3A_688 = tpu.memref_slice %arg7[%rem3A_648, %dma_start3A_686, %dma_start3A_687] : memref<4x200x128xf32, #tpu.memory_space<vmem>> -> memref<1x200x128xf32, #tpu.memory_space<vmem>>
      %dma_start3A_689 = tpu.memref_squeeze %dma_start3A_688 : memref<1x200x128xf32, #tpu.memory_space<vmem>> -> memref<200x128xf32, #tpu.memory_space<vmem>>
      %dma_start3A_690 = arith.constant 0 : i32
      %dma_start3A_691 = arith.constant 0 : i32
      %dma_start3A_692 = tpu.memref_slice %arg5[%add3A_685, %dma_start3A_690, %dma_start3A_691] : memref<1024x200x128xf32, #tpu.memory_space<hbm>> -> memref<1x200x128xf32, #tpu.memory_space<hbm>>
      %dma_start3A_693 = tpu.memref_squeeze %dma_start3A_692 : memref<1x200x128xf32, #tpu.memory_space<hbm>> -> memref<200x128xf32, #tpu.memory_space<hbm>>
      %dma_start3A_694 = tpu.memref_slice %arg11[%rem3A_648] : memref<4x!tpu.dma_semaphore, #tpu.memory_space<semaphore_mem>> -> memref<1x!tpu.dma_semaphore, #tpu.memory_space<semaphore_mem>>
      %dma_start3A_695 = tpu.memref_squeeze %dma_start3A_694 : memref<1x!tpu.dma_semaphore, #tpu.memory_space<semaphore_mem>> -> memref<!tpu.dma_semaphore, #tpu.memory_space<semaphore_mem>>
      %dma_start3A_696 = arith.constant 0 : i32
      %dma_start3A_697 = arith.constant 0 : i32
      %dma_start3A_698 = tpu.memref_slice %arg5[%add3A_685, %dma_start3A_696, %dma_start3A_697] : memref<1024x200x128xf32, #tpu.memory_space<hbm>> -> memref<1x200x128xf32, #tpu.memory_space<hbm>>
      %dma_start3A_699 = tpu.memref_squeeze %dma_start3A_698 : memref<1x200x128xf32, #tpu.memory_space<hbm>> -> memref<200x128xf32, #tpu.memory_space<hbm>>
      %dma_start3A_700 = arith.constant 0 : i32
      %dma_start3A_701 = arith.constant 0 : i32
      %dma_start3A_702 = tpu.memref_slice %arg7[%rem3A_648, %dma_start3A_700, %dma_start3A_701] : memref<4x200x128xf32, #tpu.memory_space<vmem>> -> memref<1x200x128xf32, #tpu.memory_space<vmem>>
      %dma_start3A_703 = tpu.memref_squeeze %dma_start3A_702 : memref<1x200x128xf32, #tpu.memory_space<vmem>> -> memref<200x128xf32, #tpu.memory_space<vmem>>
      tpu.enqueue_dma source(%dma_start3A_703 : memref<200x128xf32, #tpu.memory_space<vmem>>) target(%dma_start3A_699 : memref<200x128xf32, #tpu.memory_space<hbm>>) target_semaphore(%dma_start3A_695 : memref<!tpu.dma_semaphore, #tpu.memory_space<semaphore_mem>>)
    }
    %scan3A_312 = arith.constant 28 : i32
    %dma_wait3A_313 = arith.constant 0 : i32
    %dma_wait3A_314 = arith.constant 3 : i32
    %dma_wait3A_315 = arith.constant 16 : i32
    %dma_wait3A_316 = arith.constant 0 : i32
    %dma_wait3A_317 = tpu.memref_slice %arg7[%dma_wait3A_313, %dma_wait3A_315, %dma_wait3A_316] : memref<4x200x128xf32, #tpu.memory_space<vmem>> -> memref<1x184x128xf32, #tpu.memory_space<vmem>>
    %dma_wait3A_318 = tpu.memref_squeeze %dma_wait3A_317 : memref<1x184x128xf32, #tpu.memory_space<vmem>> -> memref<184x128xf32, #tpu.memory_space<vmem>>
    %dma_wait3A_319 = arith.constant 16 : i32
    %dma_wait3A_320 = arith.constant 0 : i32
    %dma_wait3A_321 = tpu.memref_slice %arg8[%dma_wait3A_319, %dma_wait3A_320] : memref<200x128xf32, #tpu.memory_space<vmem_shared>> -> memref<184x128xf32, #tpu.memory_space<vmem_shared>>
    %dma_wait3A_322 = tpu.memref_slice %arg9[%dma_wait3A_314] : memref<4x!tpu.dma_semaphore, #tpu.memory_space<semaphore_mem>> -> memref<1x!tpu.dma_semaphore, #tpu.memory_space<semaphore_mem>>
    %dma_wait3A_323 = tpu.memref_squeeze %dma_wait3A_322 : memref<1x!tpu.dma_semaphore, #tpu.memory_space<semaphore_mem>> -> memref<!tpu.dma_semaphore, #tpu.memory_space<semaphore_mem>>
    %dma_wait3A_324 = arith.constant 16 : i32
    %dma_wait3A_325 = arith.constant 0 : i32
    %dma_wait3A_326 = tpu.memref_slice %arg7[%dma_wait3A_313, %dma_wait3A_324, %dma_wait3A_325] : memref<4x200x128xf32, #tpu.memory_space<vmem>> -> memref<1x184x128xf32, #tpu.memory_space<vmem>>
    %dma_wait3A_327 = tpu.memref_squeeze %dma_wait3A_326 : memref<1x184x128xf32, #tpu.memory_space<vmem>> -> memref<184x128xf32, #tpu.memory_space<vmem>>
    %dma_wait3A_328 = arith.constant 16 : i32
    %dma_wait3A_329 = arith.constant 0 : i32
    %dma_wait3A_330 = tpu.memref_slice %arg8[%dma_wait3A_328, %dma_wait3A_329] : memref<200x128xf32, #tpu.memory_space<vmem_shared>> -> memref<184x128xf32, #tpu.memory_space<vmem_shared>>
    tpu.wait_dma2 semaphore(%dma_wait3A_323 : memref<!tpu.dma_semaphore, #tpu.memory_space<semaphore_mem>>) src(%dma_wait3A_330 : memref<184x128xf32, #tpu.memory_space<vmem_shared>>) dst(%dma_wait3A_327 : memref<184x128xf32, #tpu.memory_space<vmem>>)
    %dma_start3A_331 = arith.constant 3 : i32
    %dma_start3A_332 = arith.constant 3 : i32
    %dma_start3A_333 = arith.constant 16 : i32
    %dma_start3A_334 = arith.constant 0 : i32
    %dma_start3A_335 = tpu.memref_slice %arg7[%dma_start3A_331, %dma_start3A_333, %dma_start3A_334] : memref<4x200x128xf32, #tpu.memory_space<vmem>> -> memref<1x96x128xf32, #tpu.memory_space<vmem>>
    %dma_start3A_336 = tpu.memref_squeeze %dma_start3A_335 : memref<1x96x128xf32, #tpu.memory_space<vmem>> -> memref<96x128xf32, #tpu.memory_space<vmem>>
    %dma_start3A_337 = arith.constant 6216 : i32
    %dma_start3A_338 = tpu.memref_slice %arg6[%dma_start3A_337] : memref<6400xi32, #tpu.memory_space<vmem>> -> memref<96xi32, #tpu.memory_space<vmem>>
    %dma_start3A_339 = arith.constant 0 : i32
    %dma_start3A_340 = arith.constant 0 : i32
    %dma_start3A_341 = tpu.memref_slice %arg4[%dma_start3A_339, %dma_start3A_340] : memref<100000x128xf32, #tpu.memory_space<hbm>> -> memref<100000x128xf32, #tpu.memory_space<hbm>>
    %dma_start3A_342 = tpu.memref_slice %arg10[%dma_start3A_332] : memref<4x!tpu.dma_semaphore, #tpu.memory_space<semaphore_mem>> -> memref<1x!tpu.dma_semaphore, #tpu.memory_space<semaphore_mem>>
    %dma_start3A_343 = tpu.memref_squeeze %dma_start3A_342 : memref<1x!tpu.dma_semaphore, #tpu.memory_space<semaphore_mem>> -> memref<!tpu.dma_semaphore, #tpu.memory_space<semaphore_mem>>
    tpu.enqueue_indirect_dma source(%dma_start3A_341 : memref<100000x128xf32, #tpu.memory_space<hbm>>) target(%dma_start3A_336 : memref<96x128xf32, #tpu.memory_space<vmem>>) offsets(%dma_start3A_338 : memref<96xi32, #tpu.memory_space<vmem>>) semaphore(%dma_start3A_343 : memref<!tpu.dma_semaphore, #tpu.memory_space<semaphore_mem>>) {add = true}
    %dma_start3A_344 = arith.constant 3 : i32
    %dma_start3A_345 = arith.constant 3 : i32
    %dma_start3A_346 = arith.constant 112 : i32
    %dma_start3A_347 = arith.constant 0 : i32
    %dma_start3A_348 = tpu.memref_slice %arg7[%dma_start3A_344, %dma_start3A_346, %dma_start3A_347] : memref<4x200x128xf32, #tpu.memory_space<vmem>> -> memref<1x88x128xf32, #tpu.memory_space<vmem>>
    %dma_start3A_349 = tpu.memref_squeeze %dma_start3A_348 : memref<1x88x128xf32, #tpu.memory_space<vmem>> -> memref<88x128xf32, #tpu.memory_space<vmem>>
    %dma_start3A_350 = arith.constant 6312 : i32
    %dma_start3A_351 = tpu.memref_slice %arg6[%dma_start3A_350] : memref<6400xi32, #tpu.memory_space<vmem>> -> memref<88xi32, #tpu.memory_space<vmem>>
    %dma_start3A_352 = arith.constant 0 : i32
    %dma_start3A_353 = arith.constant 0 : i32
    %dma_start3A_354 = tpu.memref_slice %arg4[%dma_start3A_352, %dma_start3A_353] : memref<100000x128xf32, #tpu.memory_space<hbm>> -> memref<100000x128xf32, #tpu.memory_space<hbm>>
    %dma_start3A_355 = tpu.memref_slice %arg10[%dma_start3A_345] : memref<4x!tpu.dma_semaphore, #tpu.memory_space<semaphore_mem>> -> memref<1x!tpu.dma_semaphore, #tpu.memory_space<semaphore_mem>>
    %dma_start3A_356 = tpu.memref_squeeze %dma_start3A_355 : memref<1x!tpu.dma_semaphore, #tpu.memory_space<semaphore_mem>> -> memref<!tpu.dma_semaphore, #tpu.memory_space<semaphore_mem>>
    tpu.enqueue_indirect_dma source(%dma_start3A_354 : memref<100000x128xf32, #tpu.memory_space<hbm>>) target(%dma_start3A_349 : memref<88x128xf32, #tpu.memory_space<vmem>>) offsets(%dma_start3A_351 : memref<88xi32, #tpu.memory_space<vmem>>) semaphore(%dma_start3A_356 : memref<!tpu.dma_semaphore, #tpu.memory_space<semaphore_mem>>) {add = true}
    %dma_wait3A_357 = arith.constant 0 : i32
    %dma_wait3A_358 = arith.constant 2 : i32
    %dma_wait3A_359 = arith.constant 16 : i32
    %dma_wait3A_360 = arith.constant 0 : i32
    %dma_wait3A_361 = tpu.memref_slice %arg7[%dma_wait3A_357, %dma_wait3A_359, %dma_wait3A_360] : memref<4x200x128xf32, #tpu.memory_space<vmem>> -> memref<1x96x128xf32, #tpu.memory_space<vmem>>
    %dma_wait3A_362 = tpu.memref_squeeze %dma_wait3A_361 : memref<1x96x128xf32, #tpu.memory_space<vmem>> -> memref<96x128xf32, #tpu.memory_space<vmem>>
    %dma_wait3A_363 = arith.constant 0 : i32
    %dma_wait3A_364 = arith.constant 0 : i32
    %dma_wait3A_365 = tpu.memref_slice %arg4[%dma_wait3A_363, %dma_wait3A_364] : memref<100000x128xf32, #tpu.memory_space<hbm>> -> memref<96x128xf32, #tpu.memory_space<hbm>>
    %dma_wait3A_366 = tpu.memref_slice %arg10[%dma_wait3A_358] : memref<4x!tpu.dma_semaphore, #tpu.memory_space<semaphore_mem>> -> memref<1x!tpu.dma_semaphore, #tpu.memory_space<semaphore_mem>>
    %dma_wait3A_367 = tpu.memref_squeeze %dma_wait3A_366 : memref<1x!tpu.dma_semaphore, #tpu.memory_space<semaphore_mem>> -> memref<!tpu.dma_semaphore, #tpu.memory_space<semaphore_mem>>
    %dma_wait3A_368 = arith.constant 16 : i32
    %dma_wait3A_369 = arith.constant 0 : i32
    %dma_wait3A_370 = tpu.memref_slice %arg7[%dma_wait3A_357, %dma_wait3A_368, %dma_wait3A_369] : memref<4x200x128xf32, #tpu.memory_space<vmem>> -> memref<1x96x128xf32, #tpu.memory_space<vmem>>
    %dma_wait3A_371 = tpu.memref_squeeze %dma_wait3A_370 : memref<1x96x128xf32, #tpu.memory_space<vmem>> -> memref<96x128xf32, #tpu.memory_space<vmem>>
    %dma_wait3A_372 = arith.constant 0 : i32
    %dma_wait3A_373 = arith.constant 0 : i32
    %dma_wait3A_374 = tpu.memref_slice %arg4[%dma_wait3A_372, %dma_wait3A_373] : memref<100000x128xf32, #tpu.memory_space<hbm>> -> memref<96x128xf32, #tpu.memory_space<hbm>>
    tpu.wait_dma2 semaphore(%dma_wait3A_367 : memref<!tpu.dma_semaphore, #tpu.memory_space<semaphore_mem>>) src(%dma_wait3A_374 : memref<96x128xf32, #tpu.memory_space<hbm>>) dst(%dma_wait3A_371 : memref<96x128xf32, #tpu.memory_space<vmem>>)
    %dma_wait3A_375 = arith.constant 0 : i32
    %dma_wait3A_376 = arith.constant 2 : i32
    %dma_wait3A_377 = arith.constant 112 : i32
    %dma_wait3A_378 = arith.constant 0 : i32
    %dma_wait3A_379 = tpu.memref_slice %arg7[%dma_wait3A_375, %dma_wait3A_377, %dma_wait3A_378] : memref<4x200x128xf32, #tpu.memory_space<vmem>> -> memref<1x88x128xf32, #tpu.memory_space<vmem>>
    %dma_wait3A_380 = tpu.memref_squeeze %dma_wait3A_379 : memref<1x88x128xf32, #tpu.memory_space<vmem>> -> memref<88x128xf32, #tpu.memory_space<vmem>>
    %dma_wait3A_381 = arith.constant 0 : i32
    %dma_wait3A_382 = arith.constant 0 : i32
    %dma_wait3A_383 = tpu.memref_slice %arg4[%dma_wait3A_381, %dma_wait3A_382] : memref<100000x128xf32, #tpu.memory_space<hbm>> -> memref<88x128xf32, #tpu.memory_space<hbm>>
    %dma_wait3A_384 = tpu.memref_slice %arg10[%dma_wait3A_376] : memref<4x!tpu.dma_semaphore, #tpu.memory_space<semaphore_mem>> -> memref<1x!tpu.dma_semaphore, #tpu.memory_space<semaphore_mem>>
    %dma_wait3A_385 = tpu.memref_squeeze %dma_wait3A_384 : memref<1x!tpu.dma_semaphore, #tpu.memory_space<semaphore_mem>> -> memref<!tpu.dma_semaphore, #tpu.memory_space<semaphore_mem>>
    %dma_wait3A_386 = arith.constant 112 : i32
    %dma_wait3A_387 = arith.constant 0 : i32
    %dma_wait3A_388 = tpu.memref_slice %arg7[%dma_wait3A_375, %dma_wait3A_386, %dma_wait3A_387] : memref<4x200x128xf32, #tpu.memory_space<vmem>> -> memref<1x88x128xf32, #tpu.memory_space<vmem>>
    %dma_wait3A_389 = tpu.memref_squeeze %dma_wait3A_388 : memref<1x88x128xf32, #tpu.memory_space<vmem>> -> memref<88x128xf32, #tpu.memory_space<vmem>>
    %dma_wait3A_390 = arith.constant 0 : i32
    %dma_wait3A_391 = arith.constant 0 : i32
    %dma_wait3A_392 = tpu.memref_slice %arg4[%dma_wait3A_390, %dma_wait3A_391] : memref<100000x128xf32, #tpu.memory_space<hbm>> -> memref<88x128xf32, #tpu.memory_space<hbm>>
    tpu.wait_dma2 semaphore(%dma_wait3A_385 : memref<!tpu.dma_semaphore, #tpu.memory_space<semaphore_mem>>) src(%dma_wait3A_392 : memref<88x128xf32, #tpu.memory_space<hbm>>) dst(%dma_wait3A_389 : memref<88x128xf32, #tpu.memory_space<vmem>>)
    %add3A_393 = arith.constant 30 : i32
    %add3A_394 = arith.addi %mul3A_2, %add3A_393 : i32
    %dma_start3A_395 = arith.constant 2 : i32
    %dma_start3A_396 = arith.constant 2 : i32
    %dma_start3A_397 = arith.constant 0 : i32
    %dma_start3A_398 = arith.constant 0 : i32
    %dma_start3A_399 = tpu.memref_slice %arg7[%dma_start3A_395, %dma_start3A_397, %dma_start3A_398] : memref<4x200x128xf32, #tpu.memory_space<vmem>> -> memref<1x200x128xf32, #tpu.memory_space<vmem>>
    %dma_start3A_400 = tpu.memref_squeeze %dma_start3A_399 : memref<1x200x128xf32, #tpu.memory_space<vmem>> -> memref<200x128xf32, #tpu.memory_space<vmem>>
    %dma_start3A_401 = arith.constant 0 : i32
    %dma_start3A_402 = arith.constant 0 : i32
    %dma_start3A_403 = tpu.memref_slice %arg5[%add3A_394, %dma_start3A_401, %dma_start3A_402] : memref<1024x200x128xf32, #tpu.memory_space<hbm>> -> memref<1x200x128xf32, #tpu.memory_space<hbm>>
    %dma_start3A_404 = tpu.memref_squeeze %dma_start3A_403 : memref<1x200x128xf32, #tpu.memory_space<hbm>> -> memref<200x128xf32, #tpu.memory_space<hbm>>
    %dma_start3A_405 = tpu.memref_slice %arg11[%dma_start3A_396] : memref<4x!tpu.dma_semaphore, #tpu.memory_space<semaphore_mem>> -> memref<1x!tpu.dma_semaphore, #tpu.memory_space<semaphore_mem>>
    %dma_start3A_406 = tpu.memref_squeeze %dma_start3A_405 : memref<1x!tpu.dma_semaphore, #tpu.memory_space<semaphore_mem>> -> memref<!tpu.dma_semaphore, #tpu.memory_space<semaphore_mem>>
    %dma_start3A_407 = arith.constant 0 : i32
    %dma_start3A_408 = arith.constant 0 : i32
    %dma_start3A_409 = tpu.memref_slice %arg5[%add3A_394, %dma_start3A_407, %dma_start3A_408] : memref<1024x200x128xf32, #tpu.memory_space<hbm>> -> memref<1x200x128xf32, #tpu.memory_space<hbm>>
    %dma_start3A_410 = tpu.memref_squeeze %dma_start3A_409 : memref<1x200x128xf32, #tpu.memory_space<hbm>> -> memref<200x128xf32, #tpu.memory_space<hbm>>
    %dma_start3A_411 = arith.constant 0 : i32
    %dma_start3A_412 = arith.constant 0 : i32
    %dma_start3A_413 = tpu.memref_slice %arg7[%dma_start3A_395, %dma_start3A_411, %dma_start3A_412] : memref<4x200x128xf32, #tpu.memory_space<vmem>> -> memref<1x200x128xf32, #tpu.memory_space<vmem>>
    %dma_start3A_414 = tpu.memref_squeeze %dma_start3A_413 : memref<1x200x128xf32, #tpu.memory_space<vmem>> -> memref<200x128xf32, #tpu.memory_space<vmem>>
    tpu.enqueue_dma source(%dma_start3A_414 : memref<200x128xf32, #tpu.memory_space<vmem>>) target(%dma_start3A_410 : memref<200x128xf32, #tpu.memory_space<hbm>>) target_semaphore(%dma_start3A_406 : memref<!tpu.dma_semaphore, #tpu.memory_space<semaphore_mem>>)
    %dma_wait3A_415 = arith.constant 0 : i32
    %dma_wait3A_416 = arith.constant 3 : i32
    %dma_wait3A_417 = arith.constant 16 : i32
    %dma_wait3A_418 = arith.constant 0 : i32
    %dma_wait3A_419 = tpu.memref_slice %arg7[%dma_wait3A_415, %dma_wait3A_417, %dma_wait3A_418] : memref<4x200x128xf32, #tpu.memory_space<vmem>> -> memref<1x96x128xf32, #tpu.memory_space<vmem>>
    %dma_wait3A_420 = tpu.memref_squeeze %dma_wait3A_419 : memref<1x96x128xf32, #tpu.memory_space<vmem>> -> memref<96x128xf32, #tpu.memory_space<vmem>>
    %dma_wait3A_421 = arith.constant 0 : i32
    %dma_wait3A_422 = arith.constant 0 : i32
    %dma_wait3A_423 = tpu.memref_slice %arg4[%dma_wait3A_421, %dma_wait3A_422] : memref<100000x128xf32, #tpu.memory_space<hbm>> -> memref<96x128xf32, #tpu.memory_space<hbm>>
    %dma_wait3A_424 = tpu.memref_slice %arg10[%dma_wait3A_416] : memref<4x!tpu.dma_semaphore, #tpu.memory_space<semaphore_mem>> -> memref<1x!tpu.dma_semaphore, #tpu.memory_space<semaphore_mem>>
    %dma_wait3A_425 = tpu.memref_squeeze %dma_wait3A_424 : memref<1x!tpu.dma_semaphore, #tpu.memory_space<semaphore_mem>> -> memref<!tpu.dma_semaphore, #tpu.memory_space<semaphore_mem>>
    %dma_wait3A_426 = arith.constant 16 : i32
    %dma_wait3A_427 = arith.constant 0 : i32
    %dma_wait3A_428 = tpu.memref_slice %arg7[%dma_wait3A_415, %dma_wait3A_426, %dma_wait3A_427] : memref<4x200x128xf32, #tpu.memory_space<vmem>> -> memref<1x96x128xf32, #tpu.memory_space<vmem>>
    %dma_wait3A_429 = tpu.memref_squeeze %dma_wait3A_428 : memref<1x96x128xf32, #tpu.memory_space<vmem>> -> memref<96x128xf32, #tpu.memory_space<vmem>>
    %dma_wait3A_430 = arith.constant 0 : i32
    %dma_wait3A_431 = arith.constant 0 : i32
    %dma_wait3A_432 = tpu.memref_slice %arg4[%dma_wait3A_430, %dma_wait3A_431] : memref<100000x128xf32, #tpu.memory_space<hbm>> -> memref<96x128xf32, #tpu.memory_space<hbm>>
    tpu.wait_dma2 semaphore(%dma_wait3A_425 : memref<!tpu.dma_semaphore, #tpu.memory_space<semaphore_mem>>) src(%dma_wait3A_432 : memref<96x128xf32, #tpu.memory_space<hbm>>) dst(%dma_wait3A_429 : memref<96x128xf32, #tpu.memory_space<vmem>>)
    %dma_wait3A_433 = arith.constant 0 : i32
    %dma_wait3A_434 = arith.constant 3 : i32
    %dma_wait3A_435 = arith.constant 112 : i32
    %dma_wait3A_436 = arith.constant 0 : i32
    %dma_wait3A_437 = tpu.memref_slice %arg7[%dma_wait3A_433, %dma_wait3A_435, %dma_wait3A_436] : memref<4x200x128xf32, #tpu.memory_space<vmem>> -> memref<1x88x128xf32, #tpu.memory_space<vmem>>
    %dma_wait3A_438 = tpu.memref_squeeze %dma_wait3A_437 : memref<1x88x128xf32, #tpu.memory_space<vmem>> -> memref<88x128xf32, #tpu.memory_space<vmem>>
    %dma_wait3A_439 = arith.constant 0 : i32
    %dma_wait3A_440 = arith.constant 0 : i32
    %dma_wait3A_441 = tpu.memref_slice %arg4[%dma_wait3A_439, %dma_wait3A_440] : memref<100000x128xf32, #tpu.memory_space<hbm>> -> memref<88x128xf32, #tpu.memory_space<hbm>>
    %dma_wait3A_442 = tpu.memref_slice %arg10[%dma_wait3A_434] : memref<4x!tpu.dma_semaphore, #tpu.memory_space<semaphore_mem>> -> memref<1x!tpu.dma_semaphore, #tpu.memory_space<semaphore_mem>>
    %dma_wait3A_443 = tpu.memref_squeeze %dma_wait3A_442 : memref<1x!tpu.dma_semaphore, #tpu.memory_space<semaphore_mem>> -> memref<!tpu.dma_semaphore, #tpu.memory_space<semaphore_mem>>
    %dma_wait3A_444 = arith.constant 112 : i32
    %dma_wait3A_445 = arith.constant 0 : i32
    %dma_wait3A_446 = tpu.memref_slice %arg7[%dma_wait3A_433, %dma_wait3A_444, %dma_wait3A_445] : memref<4x200x128xf32, #tpu.memory_space<vmem>> -> memref<1x88x128xf32, #tpu.memory_space<vmem>>
    %dma_wait3A_447 = tpu.memref_squeeze %dma_wait3A_446 : memref<1x88x128xf32, #tpu.memory_space<vmem>> -> memref<88x128xf32, #tpu.memory_space<vmem>>
    %dma_wait3A_448 = arith.constant 0 : i32
    %dma_wait3A_449 = arith.constant 0 : i32
    %dma_wait3A_450 = tpu.memref_slice %arg4[%dma_wait3A_448, %dma_wait3A_449] : memref<100000x128xf32, #tpu.memory_space<hbm>> -> memref<88x128xf32, #tpu.memory_space<hbm>>
    tpu.wait_dma2 semaphore(%dma_wait3A_443 : memref<!tpu.dma_semaphore, #tpu.memory_space<semaphore_mem>>) src(%dma_wait3A_450 : memref<88x128xf32, #tpu.memory_space<hbm>>) dst(%dma_wait3A_447 : memref<88x128xf32, #tpu.memory_space<vmem>>)
    %add3A_451 = arith.constant 31 : i32
    %add3A_452 = arith.addi %mul3A_2, %add3A_451 : i32
    %dma_start3A_453 = arith.constant 3 : i32
    %dma_start3A_454 = arith.constant 3 : i32
    %dma_start3A_455 = arith.constant 0 : i32
    %dma_start3A_456 = arith.constant 0 : i32
    %dma_start3A_457 = tpu.memref_slice %arg7[%dma_start3A_453, %dma_start3A_455, %dma_start3A_456] : memref<4x200x128xf32, #tpu.memory_space<vmem>> -> memref<1x200x128xf32, #tpu.memory_space<vmem>>
    %dma_start3A_458 = tpu.memref_squeeze %dma_start3A_457 : memref<1x200x128xf32, #tpu.memory_space<vmem>> -> memref<200x128xf32, #tpu.memory_space<vmem>>
    %dma_start3A_459 = arith.constant 0 : i32
    %dma_start3A_460 = arith.constant 0 : i32
    %dma_start3A_461 = tpu.memref_slice %arg5[%add3A_452, %dma_start3A_459, %dma_start3A_460] : memref<1024x200x128xf32, #tpu.memory_space<hbm>> -> memref<1x200x128xf32, #tpu.memory_space<hbm>>
    %dma_start3A_462 = tpu.memref_squeeze %dma_start3A_461 : memref<1x200x128xf32, #tpu.memory_space<hbm>> -> memref<200x128xf32, #tpu.memory_space<hbm>>
    %dma_start3A_463 = tpu.memref_slice %arg11[%dma_start3A_454] : memref<4x!tpu.dma_semaphore, #tpu.memory_space<semaphore_mem>> -> memref<1x!tpu.dma_semaphore, #tpu.memory_space<semaphore_mem>>
    %dma_start3A_464 = tpu.memref_squeeze %dma_start3A_463 : memref<1x!tpu.dma_semaphore, #tpu.memory_space<semaphore_mem>> -> memref<!tpu.dma_semaphore, #tpu.memory_space<semaphore_mem>>
    %dma_start3A_465 = arith.constant 0 : i32
    %dma_start3A_466 = arith.constant 0 : i32
    %dma_start3A_467 = tpu.memref_slice %arg5[%add3A_452, %dma_start3A_465, %dma_start3A_466] : memref<1024x200x128xf32, #tpu.memory_space<hbm>> -> memref<1x200x128xf32, #tpu.memory_space<hbm>>
    %dma_start3A_468 = tpu.memref_squeeze %dma_start3A_467 : memref<1x200x128xf32, #tpu.memory_space<hbm>> -> memref<200x128xf32, #tpu.memory_space<hbm>>
    %dma_start3A_469 = arith.constant 0 : i32
    %dma_start3A_470 = arith.constant 0 : i32
    %dma_start3A_471 = tpu.memref_slice %arg7[%dma_start3A_453, %dma_start3A_469, %dma_start3A_470] : memref<4x200x128xf32, #tpu.memory_space<vmem>> -> memref<1x200x128xf32, #tpu.memory_space<vmem>>
    %dma_start3A_472 = tpu.memref_squeeze %dma_start3A_471 : memref<1x200x128xf32, #tpu.memory_space<vmem>> -> memref<200x128xf32, #tpu.memory_space<vmem>>
    tpu.enqueue_dma source(%dma_start3A_472 : memref<200x128xf32, #tpu.memory_space<vmem>>) target(%dma_start3A_468 : memref<200x128xf32, #tpu.memory_space<hbm>>) target_semaphore(%dma_start3A_464 : memref<!tpu.dma_semaphore, #tpu.memory_space<semaphore_mem>>)
    %dma_wait3A_473 = arith.constant 0 : i32
    %dma_wait3A_474 = arith.constant 0 : i32
    %dma_wait3A_475 = arith.constant 0 : i32
    %dma_wait3A_476 = arith.constant 0 : i32
    %dma_wait3A_477 = arith.constant 0 : i32
    %dma_wait3A_478 = tpu.memref_slice %arg7[%dma_wait3A_473, %dma_wait3A_476, %dma_wait3A_477] : memref<4x200x128xf32, #tpu.memory_space<vmem>> -> memref<1x200x128xf32, #tpu.memory_space<vmem>>
    %dma_wait3A_479 = tpu.memref_squeeze %dma_wait3A_478 : memref<1x200x128xf32, #tpu.memory_space<vmem>> -> memref<200x128xf32, #tpu.memory_space<vmem>>
    %dma_wait3A_480 = arith.constant 0 : i32
    %dma_wait3A_481 = arith.constant 0 : i32
    %dma_wait3A_482 = tpu.memref_slice %arg5[%dma_wait3A_474, %dma_wait3A_480, %dma_wait3A_481] : memref<1024x200x128xf32, #tpu.memory_space<hbm>> -> memref<1x200x128xf32, #tpu.memory_space<hbm>>
    %dma_wait3A_483 = tpu.memref_squeeze %dma_wait3A_482 : memref<1x200x128xf32, #tpu.memory_space<hbm>> -> memref<200x128xf32, #tpu.memory_space<hbm>>
    %dma_wait3A_484 = tpu.memref_slice %arg11[%dma_wait3A_475] : memref<4x!tpu.dma_semaphore, #tpu.memory_space<semaphore_mem>> -> memref<1x!tpu.dma_semaphore, #tpu.memory_space<semaphore_mem>>
    %dma_wait3A_485 = tpu.memref_squeeze %dma_wait3A_484 : memref<1x!tpu.dma_semaphore, #tpu.memory_space<semaphore_mem>> -> memref<!tpu.dma_semaphore, #tpu.memory_space<semaphore_mem>>
    %dma_wait3A_486 = arith.constant 0 : i32
    %dma_wait3A_487 = arith.constant 0 : i32
    %dma_wait3A_488 = tpu.memref_slice %arg5[%dma_wait3A_474, %dma_wait3A_486, %dma_wait3A_487] : memref<1024x200x128xf32, #tpu.memory_space<hbm>> -> memref<1x200x128xf32, #tpu.memory_space<hbm>>
    %dma_wait3A_489 = tpu.memref_squeeze %dma_wait3A_488 : memref<1x200x128xf32, #tpu.memory_space<hbm>> -> memref<200x128xf32, #tpu.memory_space<hbm>>
    %dma_wait3A_490 = arith.constant 0 : i32
    %dma_wait3A_491 = arith.constant 0 : i32
    %dma_wait3A_492 = tpu.memref_slice %arg7[%dma_wait3A_473, %dma_wait3A_490, %dma_wait3A_491] : memref<4x200x128xf32, #tpu.memory_space<vmem>> -> memref<1x200x128xf32, #tpu.memory_space<vmem>>
    %dma_wait3A_493 = tpu.memref_squeeze %dma_wait3A_492 : memref<1x200x128xf32, #tpu.memory_space<vmem>> -> memref<200x128xf32, #tpu.memory_space<vmem>>
    tpu.wait_dma2 semaphore(%dma_wait3A_485 : memref<!tpu.dma_semaphore, #tpu.memory_space<semaphore_mem>>) src(%dma_wait3A_493 : memref<200x128xf32, #tpu.memory_space<vmem>>) dst(%dma_wait3A_489 : memref<200x128xf32, #tpu.memory_space<hbm>>)
    %dma_wait3A_494 = arith.constant 0 : i32
    %dma_wait3A_495 = arith.constant 0 : i32
    %dma_wait3A_496 = arith.constant 1 : i32
    %dma_wait3A_497 = arith.constant 0 : i32
    %dma_wait3A_498 = arith.constant 0 : i32
    %dma_wait3A_499 = tpu.memref_slice %arg7[%dma_wait3A_494, %dma_wait3A_497, %dma_wait3A_498] : memref<4x200x128xf32, #tpu.memory_space<vmem>> -> memref<1x200x128xf32, #tpu.memory_space<vmem>>
    %dma_wait3A_500 = tpu.memref_squeeze %dma_wait3A_499 : memref<1x200x128xf32, #tpu.memory_space<vmem>> -> memref<200x128xf32, #tpu.memory_space<vmem>>
    %dma_wait3A_501 = arith.constant 0 : i32
    %dma_wait3A_502 = arith.constant 0 : i32
    %dma_wait3A_503 = tpu.memref_slice %arg5[%dma_wait3A_495, %dma_wait3A_501, %dma_wait3A_502] : memref<1024x200x128xf32, #tpu.memory_space<hbm>> -> memref<1x200x128xf32, #tpu.memory_space<hbm>>
    %dma_wait3A_504 = tpu.memref_squeeze %dma_wait3A_503 : memref<1x200x128xf32, #tpu.memory_space<hbm>> -> memref<200x128xf32, #tpu.memory_space<hbm>>
    %dma_wait3A_505 = tpu.memref_slice %arg11[%dma_wait3A_496] : memref<4x!tpu.dma_semaphore, #tpu.memory_space<semaphore_mem>> -> memref<1x!tpu.dma_semaphore, #tpu.memory_space<semaphore_mem>>
    %dma_wait3A_506 = tpu.memref_squeeze %dma_wait3A_505 : memref<1x!tpu.dma_semaphore, #tpu.memory_space<semaphore_mem>> -> memref<!tpu.dma_semaphore, #tpu.memory_space<semaphore_mem>>
    %dma_wait3A_507 = arith.constant 0 : i32
    %dma_wait3A_508 = arith.constant 0 : i32
    %dma_wait3A_509 = tpu.memref_slice %arg5[%dma_wait3A_495, %dma_wait3A_507, %dma_wait3A_508] : memref<1024x200x128xf32, #tpu.memory_space<hbm>> -> memref<1x200x128xf32, #tpu.memory_space<hbm>>
    %dma_wait3A_510 = tpu.memref_squeeze %dma_wait3A_509 : memref<1x200x128xf32, #tpu.memory_space<hbm>> -> memref<200x128xf32, #tpu.memory_space<hbm>>
    %dma_wait3A_511 = arith.constant 0 : i32
    %dma_wait3A_512 = arith.constant 0 : i32
    %dma_wait3A_513 = tpu.memref_slice %arg7[%dma_wait3A_494, %dma_wait3A_511, %dma_wait3A_512] : memref<4x200x128xf32, #tpu.memory_space<vmem>> -> memref<1x200x128xf32, #tpu.memory_space<vmem>>
    %dma_wait3A_514 = tpu.memref_squeeze %dma_wait3A_513 : memref<1x200x128xf32, #tpu.memory_space<vmem>> -> memref<200x128xf32, #tpu.memory_space<vmem>>
    tpu.wait_dma2 semaphore(%dma_wait3A_506 : memref<!tpu.dma_semaphore, #tpu.memory_space<semaphore_mem>>) src(%dma_wait3A_514 : memref<200x128xf32, #tpu.memory_space<vmem>>) dst(%dma_wait3A_510 : memref<200x128xf32, #tpu.memory_space<hbm>>)
    %dma_wait3A_515 = arith.constant 0 : i32
    %dma_wait3A_516 = arith.constant 0 : i32
    %dma_wait3A_517 = arith.constant 2 : i32
    %dma_wait3A_518 = arith.constant 0 : i32
    %dma_wait3A_519 = arith.constant 0 : i32
    %dma_wait3A_520 = tpu.memref_slice %arg7[%dma_wait3A_515, %dma_wait3A_518, %dma_wait3A_519] : memref<4x200x128xf32, #tpu.memory_space<vmem>> -> memref<1x200x128xf32, #tpu.memory_space<vmem>>
    %dma_wait3A_521 = tpu.memref_squeeze %dma_wait3A_520 : memref<1x200x128xf32, #tpu.memory_space<vmem>> -> memref<200x128xf32, #tpu.memory_space<vmem>>
    %dma_wait3A_522 = arith.constant 0 : i32
    %dma_wait3A_523 = arith.constant 0 : i32
    %dma_wait3A_524 = tpu.memref_slice %arg5[%dma_wait3A_516, %dma_wait3A_522, %dma_wait3A_523] : memref<1024x200x128xf32, #tpu.memory_space<hbm>> -> memref<1x200x128xf32, #tpu.memory_space<hbm>>
    %dma_wait3A_525 = tpu.memref_squeeze %dma_wait3A_524 : memref<1x200x128xf32, #tpu.memory_space<hbm>> -> memref<200x128xf32, #tpu.memory_space<hbm>>
    %dma_wait3A_526 = tpu.memref_slice %arg11[%dma_wait3A_517] : memref<4x!tpu.dma_semaphore, #tpu.memory_space<semaphore_mem>> -> memref<1x!tpu.dma_semaphore, #tpu.memory_space<semaphore_mem>>
    %dma_wait3A_527 = tpu.memref_squeeze %dma_wait3A_526 : memref<1x!tpu.dma_semaphore, #tpu.memory_space<semaphore_mem>> -> memref<!tpu.dma_semaphore, #tpu.memory_space<semaphore_mem>>
    %dma_wait3A_528 = arith.constant 0 : i32
    %dma_wait3A_529 = arith.constant 0 : i32
    %dma_wait3A_530 = tpu.memref_slice %arg5[%dma_wait3A_516, %dma_wait3A_528, %dma_wait3A_529] : memref<1024x200x128xf32, #tpu.memory_space<hbm>> -> memref<1x200x128xf32, #tpu.memory_space<hbm>>
    %dma_wait3A_531 = tpu.memref_squeeze %dma_wait3A_530 : memref<1x200x128xf32, #tpu.memory_space<hbm>> -> memref<200x128xf32, #tpu.memory_space<hbm>>
    %dma_wait3A_532 = arith.constant 0 : i32
    %dma_wait3A_533 = arith.constant 0 : i32
    %dma_wait3A_534 = tpu.memref_slice %arg7[%dma_wait3A_515, %dma_wait3A_532, %dma_wait3A_533] : memref<4x200x128xf32, #tpu.memory_space<vmem>> -> memref<1x200x128xf32, #tpu.memory_space<vmem>>
    %dma_wait3A_535 = tpu.memref_squeeze %dma_wait3A_534 : memref<1x200x128xf32, #tpu.memory_space<vmem>> -> memref<200x128xf32, #tpu.memory_space<vmem>>
    tpu.wait_dma2 semaphore(%dma_wait3A_527 : memref<!tpu.dma_semaphore, #tpu.memory_space<semaphore_mem>>) src(%dma_wait3A_535 : memref<200x128xf32, #tpu.memory_space<vmem>>) dst(%dma_wait3A_531 : memref<200x128xf32, #tpu.memory_space<hbm>>)
    %dma_wait3A_536 = arith.constant 0 : i32
    %dma_wait3A_537 = arith.constant 0 : i32
    %dma_wait3A_538 = arith.constant 3 : i32
    %dma_wait3A_539 = arith.constant 0 : i32
    %dma_wait3A_540 = arith.constant 0 : i32
    %dma_wait3A_541 = tpu.memref_slice %arg7[%dma_wait3A_536, %dma_wait3A_539, %dma_wait3A_540] : memref<4x200x128xf32, #tpu.memory_space<vmem>> -> memref<1x200x128xf32, #tpu.memory_space<vmem>>
    %dma_wait3A_542 = tpu.memref_squeeze %dma_wait3A_541 : memref<1x200x128xf32, #tpu.memory_space<vmem>> -> memref<200x128xf32, #tpu.memory_space<vmem>>
    %dma_wait3A_543 = arith.constant 0 : i32
    %dma_wait3A_544 = arith.constant 0 : i32
    %dma_wait3A_545 = tpu.memref_slice %arg5[%dma_wait3A_537, %dma_wait3A_543, %dma_wait3A_544] : memref<1024x200x128xf32, #tpu.memory_space<hbm>> -> memref<1x200x128xf32, #tpu.memory_space<hbm>>
    %dma_wait3A_546 = tpu.memref_squeeze %dma_wait3A_545 : memref<1x200x128xf32, #tpu.memory_space<hbm>> -> memref<200x128xf32, #tpu.memory_space<hbm>>
    %dma_wait3A_547 = tpu.memref_slice %arg11[%dma_wait3A_538] : memref<4x!tpu.dma_semaphore, #tpu.memory_space<semaphore_mem>> -> memref<1x!tpu.dma_semaphore, #tpu.memory_space<semaphore_mem>>
    %dma_wait3A_548 = tpu.memref_squeeze %dma_wait3A_547 : memref<1x!tpu.dma_semaphore, #tpu.memory_space<semaphore_mem>> -> memref<!tpu.dma_semaphore, #tpu.memory_space<semaphore_mem>>
    %dma_wait3A_549 = arith.constant 0 : i32
    %dma_wait3A_550 = arith.constant 0 : i32
    %dma_wait3A_551 = tpu.memref_slice %arg5[%dma_wait3A_537, %dma_wait3A_549, %dma_wait3A_550] : memref<1024x200x128xf32, #tpu.memory_space<hbm>> -> memref<1x200x128xf32, #tpu.memory_space<hbm>>
    %dma_wait3A_552 = tpu.memref_squeeze %dma_wait3A_551 : memref<1x200x128xf32, #tpu.memory_space<hbm>> -> memref<200x128xf32, #tpu.memory_space<hbm>>
    %dma_wait3A_553 = arith.constant 0 : i32
    %dma_wait3A_554 = arith.constant 0 : i32
    %dma_wait3A_555 = tpu.memref_slice %arg7[%dma_wait3A_536, %dma_wait3A_553, %dma_wait3A_554] : memref<4x200x128xf32, #tpu.memory_space<vmem>> -> memref<1x200x128xf32, #tpu.memory_space<vmem>>
    %dma_wait3A_556 = tpu.memref_squeeze %dma_wait3A_555 : memref<1x200x128xf32, #tpu.memory_space<vmem>> -> memref<200x128xf32, #tpu.memory_space<vmem>>
    tpu.wait_dma2 semaphore(%dma_wait3A_548 : memref<!tpu.dma_semaphore, #tpu.memory_space<semaphore_mem>>) src(%dma_wait3A_556 : memref<200x128xf32, #tpu.memory_space<vmem>>) dst(%dma_wait3A_552 : memref<200x128xf32, #tpu.memory_space<hbm>>)
    return
  }
}

</mosaic_0001>

<sc_bundles>
// kernel: kernel.3.cloned.1.call-start
scs
__scs_entry_jumppad:
0x0: {  	(pc) =	sbr.rel $0x88, $3  }
0x1: {  	(tag) =	ssettag $0x0;
	lr =	simm.s32 $0x1  }
0x2: {  	[smem:$0x3F9D] =	sst lr;
	_ =	strace $0xD0000000  }
0x3: {  	_ = 	snop  }
0x4: {  	_ = 	snop  }
0x5: {  	_ = 	snop  }
0x6: {  	_ = 	snop  }
0x7: {  	_ = 	snop  }
__scs_overlays_trampoline_lowered:
0x8: {  	[smem:$0x3FAC] =	sst s0  }
0x9: {  	[smem:$0x3FAD] =	sst s1  }
0xa: {  	[smem:$0x3FAE] =	sst s2  }
0xb: {  	[smem:$0x3FAF] =	sst s3  }
0xc: {  	[smem:$0x3FB0] =	sst s4  }
0xd: {  	[smem:$0x3FB1] =	sst s5  }
0xe: {  	[smem:$0x3FB2] =	sst s6  }
0xf: {  	[smem:$0x3FB3] =	sst s7  }
0x10: {  	[smem:$0x3FB4] =	sst s8  }
0x11: {  	[smem:$0x3FB5] =	sst s9;
	s0 =	simm.s32 @!p0 $0x0  }
0x12: {  	s1 =	sld [smem:$0x3F9B];
	s0 =	simm.s32 @p0 $0x1  }
0x13: {  	[smem:$0x3FB6] =	sst s0;
	s0 =	simm.s32 @!p1 $0x0  }
0x14: {  	s2 =	sld [smem:$0x3F9A];
	s0 =	simm.s32 @p1 $0x1  }
0x15: {  	[smem:$0x3FB7] =	sst s0;
	s0 =	simm.s32 @!p2 $0x0  }
0x16: {  	s3 =	sld [smem:$0x3FDB];
	s0 =	simm.s32 @p2 $0x1  }
0x17: {  	s4 =	simm.s32 $0x1BF5;
	[smem:$0x3FB9] =	sst s0  }
0x18: {  	s0 =	sld [smem:$0x3F9C];
	_ =	swait.ge [sflag:s4], $0x0  }
0x19: {  	s7 =	sld [smem:$0x3F9D]  }
0x1a: {  	s8 =	sadd.s32 $0xFFFFE003, lr  }
0x1b: {  	s9 =	sadd.s32 $0xFFFFFEF7, lr;
	s5 =	simm.s32 $0xFFFFFFFF;
	p2 =	slt.u32 s8, $0xFFFFF086  }
0x1c: {  	p1 =	slt.u32 s9, $0xF7A;
	s5 =	simm.s32 @!p2 $0x0  }
0x1d: {  	s5 =	simm.s32 @p1 $0x1;
	p0 =	seq.s32 s7, s2  }
0x1e: {  	s7 =	smul.u32 @!p0 $0xF7A, s2;
	p2 =	seq.s32 @!p0 s5, $0x0  }
0x1f: {  	s9 =	smul.u32 $0xF7A, s1;
	s8 =	simm.s32 @!p0 $0x1BF5;
	p2 =	por !p2, p0  }
0x20: {  	[sflag:s8] =	ssyncset.s32 @!p0 $0xFFFFF086;
	s6 =	sadd.s32 @!p0 s3, s7;
	s7 =	simm.s32 @!p0 $0x108  }
0x21: {  	s3 =	sadd.s32 s3, s9;
	s6 =	sadd.s32 @!p0 $0x88, s6;
	s7 =	simm.s32 @p2 $0x1082  }
0x22: {  	[simem:s7], [sflag:s8] =	dma.local @!p0 [hbm:s6], $0xF7A  }
0x23: {  	s9 =	sor.u32 $0xD0000000, s2;
	s6 =	simm.s32 $0x108;
	_ =	swait.ge @!p0 [sflag:s8], $0x0  }
0x24: {  	s3 =	sadd.s32 $0x88, s3;
	s6 =	simm.s32 @!p1 $0x1082;
	[sflag:s4] =	ssyncset.s32 $0xFFFFF086  }
0x25: {  	[simem:s6], [sflag:s4] =	dma.local [hbm:s3], $0xF7A  }
0x26: {  	[smem:$0x3F9D] =	sst s1;
	(tag) =	ssettag s2;
	_ =	strace s9  }
0x27: {  	s1 =	sld [smem:$0x3FAD]  }
0x28: {  	s2 =	sld [smem:$0x3FAE]  }
0x29: {  	s4 =	sld [smem:$0x3FB0]  }
0x2a: {  	p0 =	seq.s32 s5, $0x0;
	s5 =	sld [smem:$0x3FB1]  }
0x2b: {  	s6 =	sld [smem:$0x3FB2]  }
0x2c: {  	s7 =	sld [smem:$0x3FB3]  }
0x2d: {  	s3 =	simm.s32 $0x108;
	s8 =	sld [smem:$0x3FB4]  }
0x2e: {  	s3 =	simm.s32 @!p0 $0x1082;
	s9 =	sld [smem:$0x3FB5]  }
0x2f: {  	lr =	sadd.s32 s0, s3;
	s0 =	sld [smem:$0x3FAC]  }
0x30: {  	s3 =	sld [smem:$0x3FAF]  }
0x31: {  	[smem:$0x3FB8] =	sst s10  }
0x32: {  	s10 =	sld [smem:$0x3FB6];
	_ =	sdelay $0x3  }
0x33: {  	p0 =	seq.s32 s10, $0x1;
	s10 =	sld [smem:$0x3FB8];
	_ =	sdelay $0x3  }
0x34: {  	[smem:$0x3FB8] =	sst s10  }
0x35: {  	s10 =	sld [smem:$0x3FB7];
	_ =	sdelay $0x3  }
0x36: {  	p1 =	seq.s32 s10, $0x1;
	s10 =	sld [smem:$0x3FB8];
	_ =	sdelay $0x3  }
0x37: {  	[smem:$0x3FB8] =	sst s10  }
0x38: {  	s10 =	sld [smem:$0x3FB9]  }
0x39: {  	_ = 	snop;
	(pc) =	sbr.ind lr, $3  }
0x3a: {  	_ = 	snop  }
0x3b: {  	_ = 	snop  }
0x3c: {  	p2 =	seq.s32 s10, $0x1;
	s10 =	sld [smem:$0x3FB8]  }
0x3d: {  	_ =	shalt  }
0x3e: {  	_ =	shalt  }
0x3f: {  	_ =	shalt  }
0x40: {  	_ =	shalt  }
0x41: {  	_ =	shalt  }
0x42: {  	_ =	shalt  }
0x43: {  	_ =	shalt  }
0x44: {  	_ =	shalt  }
0x45: {  	_ =	shalt  }
0x46: {  	_ =	shalt  }
0x47: {  	_ =	shalt  }
0x48: {  	_ =	shalt  }
0x49: {  	_ =	shalt  }
0x4a: {  	_ =	shalt  }
0x4b: {  	_ =	shalt  }
0x4c: {  	_ =	shalt  }
0x4d: {  	_ =	shalt  }
0x4e: {  	_ =	shalt  }
0x4f: {  	_ =	shalt  }
0x50: {  	_ =	shalt  }
0x51: {  	_ =	shalt  }
0x52: {  	_ =	shalt  }
0x53: {  	_ =	shalt  }
0x54: {  	_ =	shalt  }
0x55: {  	_ =	shalt  }
0x56: {  	_ =	shalt  }
0x57: {  	_ =	shalt  }
0x58: {  	_ =	shalt  }
0x59: {  	_ =	shalt  }
0x5a: {  	_ =	shalt  }
0x5b: {  	_ =	shalt  }
0x5c: {  	_ =	shalt  }
0x5d: {  	_ =	shalt  }
0x5e: {  	_ =	shalt  }
0x5f: {  	_ =	shalt  }
0x60: {  	_ =	shalt  }
0x61: {  	_ =	shalt  }
0x62: {  	_ =	shalt  }
0x63: {  	_ =	shalt  }
0x64: {  	_ =	shalt  }
0x65: {  	_ =	shalt  }
0x66: {  	_ =	shalt  }
0x67: {  	_ =	shalt  }
0x68: {  	_ =	shalt  }
0x69: {  	_ =	shalt  }
0x6a: {  	_ =	shalt  }
0x6b: {  	_ =	shalt  }
0x6c: {  	_ =	shalt  }
0x6d: {  	_ =	shalt  }
0x6e: {  	_ =	shalt  }
0x6f: {  	_ =	shalt  }
0x70: {  	_ =	shalt  }
0x71: {  	_ =	shalt  }
0x72: {  	_ =	shalt  }
0x73: {  	_ =	shalt  }
0x74: {  	_ =	shalt  }
0x75: {  	_ =	shalt  }
0x76: {  	_ =	shalt  }
0x77: {  	_ =	shalt  }
0x78: {  	_ =	shalt  }
0x79: {  	_ =	shalt  }
0x7a: {  	_ =	shalt  }
0x7b: {  	_ =	shalt  }
0x7c: {  	_ =	shalt  }
0x7d: {  	_ =	shalt  }
0x7e: {  	_ =	shalt  }
0x7f: {  	_ =	shalt  }
0x80: {  	_ =	shalt  }
0x81: {  	_ =	shalt  }
0x82: {  	_ =	shalt  }
0x83: {  	_ =	shalt  }
0x84: {  	_ =	shalt  }
0x85: {  	_ =	shalt  }
0x86: {  	_ =	shalt  }
0x87: {  	_ =	shalt  }
.Lfunc_end0:
.L_simem_size_0:
called_computation_lowered:
.L_overlay_start_0:
0x88: {  	s2 =	sld [smem:$0x3FD9]  }
0x89: {  	s3 =	sld [smem:$0x3FFE];
	_ =	sdelay $0x1  }
0x8a: {  	s1 =	srdreg.scid  }
0x8b: {  	s0 =	sand.u32 $0x1, s1  }
0x8c: {  	s17 =	sshll.u32 s0, $0xA;
	s2 =	sadd.s32 s3, s2  }
0x8d: {  	s2 =	sadd.s32 s2, s17  }
0x8e: {  	[smem:$0x3FC4] =	sst s2  }
0x8f: {  	_ = 	snop  }
0x90: {  	s2 =	sld [smem:$0x3FC8]  }
0x91: {  	s18 =	sld [smem:$0x3FD0];
	(tm) =	ssettm $0x1  }
0x92: {  	s4 =	sld [smem:$0x3FFB];
	_ =	sdelay $0x3  }
0x93: {  	_ =	strace s4  }
0x94: {  	s4 =	sld [smem:$0x3FFC];
	_ =	sdelay $0x3  }
0x95: {  	_ =	strace s4  }
0x96: {  	s4 =	sld [smem:$0x3FFD];
	_ =	sdelay $0x3  }
0x97: {  	_ =	strace s4  }
0x98: {  	_ =	strace $0x8FFFFFFF  }
0x99: {  	s19 =	sld [smem:$0x3FDB];
	_ =	sdelay $0x1  }
0x9a: {  	s5 =	simm.s32 $_scs_section_size  }
0x9b: {  	s6 =	simm.s32 $_size__tile_overlayer_lowered;
	s7 =	simm.s32 $_tile_overlayer_lowered  }
0x9c: {  	s22 =	simm.s32 $0x1BFF;
	s21 =	sshll.u32 s7, $0x1;
	s4 =	sadd.s32 s5, s19  }
0x9d: {  	s8 =	simm.s32 $0x0;
	s20 =	sshll.u32 s6, $0x1;
	s6 =	sadd.s32 s21, s4  }
0x9e: {  	[timem:s8], [sflag:s22] =	dma.local [hbm:s6], s20  }
0x9f: {  	_ =	swait.ge [sflag:s22], s20  }
0xa0: {  	s5 =	ssub.s32 $0x0, s20;
	[sflag:s22] =	ssyncset.done $0x0  }
0xa1: {  	[sflag:s22] =	ssyncadd.s32 s5;
	_ =	sdelay $0x1  }
0xa2: {  	s23 =	simm.s32 $0x1B8B  }
0xa3: {  	_ =	swait.ge [sflag:s23], $0x1  }
0xa4: {  	[sflag:s23] =	ssyncset.done $0x0  }
0xa5: {  	s25 =	simm.s32 $0x1B8E;
	s24 =	sld [smem:$0x3FFE];
	[sflag:s23] =	ssyncadd.s32 $0xFFFFFFFF  }
0xa6: {  	s26 =	simm.s32 $execute0_lowered;
	[smem:$0x3FD2] =	sst s25  }
0xa7: {  	s6 =	sshll.u32 s26, $0x1;
	_ =	strace $0x80000046;
	[dreg:$0x1] =	wrdreg $0xFFFFFFFF  }
0xa8: {  	s28 =	simm.s32 $_size_execute0_lowered;
	s4 =	sadd.s32 s4, s6;
	[dreg:$0x0] =	wrdreg $0x0  }
0xa9: {  	s6 =	sshll.u32 s28, $0x1;
	[dreg:$0x2] =	wrdreg s4  }
0xaa: {  	[dreg:$0x3] =	wrdreg s6  }
0xab: {  	[dreg:$0x4] =	wrdreg $0xC0  }
0xac: {  	_ =	task [dreg:s8], $0x5FFFF  }
0xad: {  	[dreg:$0x1] =	wrdreg $0xFFFFFFFF  }
0xae: {  	[dreg:$0x0] =	wrdreg $0x60  }
0xaf: {  	[dreg:$0x2] =	wrdreg s24  }
0xb0: {  	[dreg:$0x3] =	wrdreg s2  }
0xb1: {  	[dreg:$0x4] =	wrdreg s18  }
0xb2: {  	[dreg:$0x5] =	wrdreg $0x1A9000  }
0xb3: {  	[dreg:$0x6] =	wrdreg $0x9  }
0xb4: {  	_ =	task.clear_ibuf [dreg:s8], $0x7FFFF;
	_ =	strace $0x90000046  }
0xb5: {  	s29 =	simm.s32 $0x9;
	_ =	strace $0x80000048  }
0xb6: {  	_ =	swait.ge [sflag:s29], $0x1  }
0xb7: {  	[sflag:s29] =	ssyncadd.s32 $0xFFFFFFFF  }
0xb8: {  	_ =	strace $0x90000048  }
0xb9: {  	_ =	sfence  }
0xba: {  	s30 =	sld [smem:$0x0];
	_ =	sdelay $0x2  }
0xbb: {  	s31 =	sshll.u32 s1, $0xD;
	s1 =	sshrl.u32 s1, $0x2  }
0xbc: {  	s3 =	sand.u32 $0x4000, s31;
	s1 =	sadd.s32 s1, s30  }
0xbd: {  	s0 =	sor.u32 s3, s0;
	s1 =	sshll.u32 s1, $0x11  }
0xbe: {  	s0 =	sor.u32 s1, s0  }
0xbf: {  	s0 =	sadd.s32 $0x8F2B, s0  }
0xc0: {  	[sflag:s0] =	ssyncadd.remote.s32 $0x1  }
0xc1: {  	_ =	sfence.sel $0xFFFF  }
0xc2: {  	[dreg:$0x0] =	wrdreg $0xFFFFFFFF;
	(pc) =	sbr.abs _section_cstart, $3  }
0xc3: {  	[dreg:$0x1] =	wrdreg $0xFFFFFFFF  }
0xc4: {  	_ =	task.clear_ibuf [dreg:s8], $0x2FFFF;
	_ =	strace $0x9FFFFFFF  }
0xc5: {  	(tm) =	ssettm $0x7FFFFFFF  }
tec
execute0_lowered:
.L_overlay_start_1:
0x0: {  	(tag) =	ssettag $0x1  }
0x1: {  	s1 =	rddreg [dreg:$0x0]  }
0x2: {  	s0 =	rddreg [dreg:$0x1];
	s2 =	srdreg.scid  }
0x3: {  	s4 =	stileid.u32;
	s5 =	rddreg [dreg:$0x2];
	s14 =	simm.s32 $0xD  }
0x4: {  	s12 =	simm.s32 $0x14D00;
	s30 =	simm.s32 $0x6;
	s31 =	simm.s32 $0x4  }
0x5: {  	s15 =	simm.s32 $0x0;
	s7 =	sand.u32 $0x1, s2;
	s3 =	sshll.u32 s4, $0x1  }
0x6: {  	s2 =	rddreg [dreg:$0x3];
	s25 =	smul.u32 $0x32000, s4;
	p0 =	sne.s32 s4, $0x0  }
0x7: {  	s6 =	sor.u32 s7, s3;
	s9 =	ssub.s32 $0x2, s7;
	s7 =	smul.u32 $0x19000, s7  }
0x8: {  	s4 =	simm.s32 $0x8;
	s3 =	simm.s32 $0x0;
	s8 =	smul.u32 $0x320, s6  }
0x9: {  	[smem:$0x7FF] =	sst s3;
	s22 =	sshrl.u32 s9, $0x1;
	s10 =	smul.u32 $0xC8000, s6  }
0xa: {  	s23 =	smul.u32 $0x19000, s6;
	s6 =	sadd.s32 $0x800, s2;
	_ =	strace $0x80000047  }
0xb: {  	s8 =	sadd.s32 s8, s1;
	s1 =	sadd.s32 $0x6800, s1;
	s24 =	sshrl.u32 s10, $0x3  }
0xc: {  	s11 =	sadd.s32 s5, s23;
	s23 =	simm.s32 $0x5;
	s10 =	simm.s32 $0xC  }
0xd: {  	[dreg:$0x5] =	wrdreg s1;
	s1 =	ssub.s32 s9, s22;
	s8 =	sadd.s32 $0x400, s8  }
0xe: {  	s26 =	sadd.s32 s5, s24;
	[dreg:$0x7] =	wrdreg s11;
	s28 =	sadd.s32 $0xC80, s11  }
0xf: {  	s5 =	sadd.s32 s25, s5;
	s9 =	simm.s32 $0xE100;
	[dreg:$0x6] =	wrdreg s8  }
0x10: {  	s11 =	simm.s32 $0x14500;
	[dreg:$0x8] =	wrdreg s28;
	s29 =	sadd.s32 $0x17700, s26  }
0x11: {  	s22 =	simm.s32 $0x60;
	s8 =	sadd.s32 $0x18380, s26;
	[dreg:$0x9] =	wrdreg s29  }
0x12: {  	s24 =	simm.s32 $0x58;
	s1 =	smax.u32 s1, $0x1;
	[dreg:$0xa] =	wrdreg s8  }
0x13: {  	s5 =	sadd.s32 s7, s5;
	[dreg:$0xb] =	wrdreg s1;
	s1 =	sshrl.u32 @!p0 s2, $0x3  }
0x14: {  	s17 =	sadd.s32 $0x1900, s5;
	[dreg:$0xc] =	wrdreg s1;
	s1 =	simm.s32 $0x7  }
.LBB2_1:
0x15: {  	s5 =	rddreg [dreg:$0x5]  }
0x16: {  	s7 =	simm.s32 @!p0 $0x1C0D;
	s8 =	rddreg [dreg:$0xc]  }
0x17: {  	[spmem:s8], [sflag:s7] =	dma.local @!p0 [hbm:s5], $0xC80  }
0x18: {  	s7 =	simm.s32 @!p0 $0xD  }
0x19: {  	_ =	swait.ge @!p0 [sflag:s7], $0xC80  }
0x1a: {  	[sflag:s7] =	ssyncset.done @!p0 $0x0  }
0x1b: {  	s20 =	rddreg [dreg:$0x6];
	[sflag:s7] =	ssyncadd.s32 @!p0 $0xFFFFF380  }
0x1c: {  	[tilespmem:s3], [sflag:$0xD] =	stream.linear.gather [hbm4b:s20+s3], $0x1900, $0x38;
	[tilespmem:$0x1AF40] =	vst v63  }
0x1d: {  	_ =	swait.ge [sflag:s14], $0x1900  }
0x1e: {  	[sflag:s14] =	ssyncset.done $0x0  }
0x1f: {  	[sflag:s14] =	ssyncadd.s32 $0xFFFFE700  }
0x20: {  	s7 =	simm.s32 $0x1900;
	[bflag:$0x0] =	sbarrier.arrive $0xFFFF  }
0x21: {  	[tilespmem:s7], [sflag:$0xD] =	stream.linear.gather [spmem:s2], $0x800, $0x38;
	[tilespmem:$0x1AF40] =	vst v63  }
0x22: {  	_ =	swait.ge [sflag:s14], $0x800  }
0x23: {  	[sflag:s14] =	ssyncset.done $0x0  }
0x24: {  	s8 =	simm.s32 $0x7D00;
	[sflag:s14] =	ssyncadd.s32 $0xFFFFF800  }
0x25: {  	[tilespmem:s8], [sflag:$0xD] =	stream.linear.gather [spmem:s2], $0x800, $0x38;
	[tilespmem:$0x1AF40] =	vst v63  }
0x26: {  	_ =	swait.ge [sflag:s14], $0x800  }
0x27: {  	[sflag:s14] =	ssyncset.done $0x0  }
0x28: {  	[sflag:s14] =	ssyncadd.s32 $0xFFFFF800  }
0x29: {  	[tilespmem:s9], [sflag:$0xD] =	stream.linear.gather [spmem:s2], $0x800, $0x38;
	[tilespmem:$0x1AF40] =	vst v63  }
0x2a: {  	_ =	swait.ge [sflag:s14], $0x800  }
0x2b: {  	[sflag:s14] =	ssyncset.done $0x0  }
0x2c: {  	[sflag:s14] =	ssyncadd.s32 $0xFFFFF800  }
0x2d: {  	[tilespmem:s11], [sflag:$0xD] =	stream.linear.gather [spmem:s2], $0x800, $0x38;
	[tilespmem:$0x1AF40] =	vst v63  }
0x2e: {  	_ =	swait.ge [sflag:s14], $0x800  }
0x2f: {  	[sflag:s14] =	ssyncset.done $0x0  }
0x30: {  	s21 =	simm.s32 $0x2100;
	[sflag:s14] =	ssyncadd.s32 $0xFFFFF800  }
0x31: {  	[tilespmem:s21], [sflag:$0x1] =	stream.linear.gather [spmem:s6], $0x5C00, $0x38;
	[tilespmem:$0x1AF40] =	vst v63  }
0x32: {  	s25 =	simm.s32 $0x8500;
	s26 =	simm.s32 $0x1  }
0x33: {  	[tilespmem:s25], [sflag:$0x2] =	stream.linear.gather [spmem:s6], $0x5C00, $0x38;
	[tilespmem:$0x1AF40] =	vst v63  }
0x34: {  	_ =	swait.ge [sflag:s26], $0x5C00  }
0x35: {  	[sflag:s26] =	ssyncset.done $0x0  }
0x36: {  	s13 =	simm.s32 $0x10;
	[sflag:s26] =	ssyncadd.s32 $0xFFFFA400  }
0x37: {  	[tilespmem:s21], [sflag:$0x5] =	stream.indirect.gather.add.f32 [hbm:s0], $0x80, s13, s22, $0xb8;
	[tilespmem:$0x1AF40] =	vst v63  }
0x38: {  	s16 =	simm.s32 $0x70;
	s18 =	simm.s32 $0x5100  }
0x39: {  	[tilespmem:s18], [sflag:$0x5] =	stream.indirect.gather.add.f32 [hbm:s0], $0x80, s16, s24, $0xb8;
	[tilespmem:$0x1AF40] =	vst v63  }
0x3a: {  	s19 =	simm.s32 $0xE900;
	s20 =	simm.s32 $0x2  }
0x3b: {  	[tilespmem:s19], [sflag:$0x3] =	stream.linear.gather [spmem:s6], $0x5C00, $0x38;
	[tilespmem:$0x1AF40] =	vst v63  }
0x3c: {  	_ =	swait.ge [sflag:s20], $0x5C00  }
0x3d: {  	[sflag:s20] =	ssyncset.done $0x0  }
0x3e: {  	s21 =	simm.s32 $0xD8;
	[sflag:s20] =	ssyncadd.s32 $0xFFFFA400  }
0x3f: {  	[tilespmem:s25], [sflag:$0x6] =	stream.indirect.gather.add.f32 [hbm:s0], $0x80, s21, s22, $0xb8;
	[tilespmem:$0x1AF40] =	vst v63  }
0x40: {  	s26 =	simm.s32 $0xB500;
	s25 =	simm.s32 $0x138  }
0x41: {  	[tilespmem:s26], [sflag:$0x6] =	stream.indirect.gather.add.f32 [hbm:s0], $0x80, s25, s24, $0xb8;
	[tilespmem:$0x1AF40] =	vst v63  }
0x42: {  	_ =	swait.ge [sflag:s23], $0x3000  }
0x43: {  	[sflag:s23] =	ssyncset.done $0x0  }
0x44: {  	[sflag:s23] =	ssyncadd.s32 $0xFFFFD000  }
0x45: {  	_ =	swait.ge [sflag:s23], $0x2C00  }
0x46: {  	[sflag:s23] =	ssyncset.done $0x0  }
0x47: {  	s13 =	rddreg [dreg:$0x7];
	[sflag:s23] =	ssyncadd.s32 $0xFFFFD400  }
0x48: {  	[hbm4b:s13+s3] =	stream.linear.scatter [tilespmem:s7], [sflag:$0x9], $0x6400, $0x38;
	[tilespmem:$0x1AF40] =	vst v63  }
0x49: {  	s16 =	simm.s32 $0x3;
	s25 =	simm.s32 $0x0  }
0x4a: {  	[tilespmem:s12], [sflag:$0x4] =	stream.linear.gather [spmem:s6], $0x5C00, $0x38;
	[tilespmem:$0x1AF40] =	vst v63  }
0x4b: {  	s11 =	simm.s32 $0x2C8;
	s7 =	sand.u32 $0x3, s25;
	_ =	swait.ge [sflag:s16], $0x5C00  }
0x4c: {  	s18 =	simm.s32 $0x1A0;
	s7 =	sadd.s32 $0x3, s7;
	[sflag:s16] =	ssyncset.done $0x0  }
0x4d: {  	s20 =	simm.s32 $0x11900;
	s7 =	sand.u32 $0xFC, s7;
	[sflag:s16] =	ssyncadd.s32 $0xFFFFA400  }
0x4e: {  	[tilespmem:s19], [sflag:$0x7] =	stream.indirect.gather.add.f32 [hbm:s0], $0x80, s18, s22, $0xb8;
	[tilespmem:$0x1AF40] =	vst v63  }
0x4f: {  	s13 =	sand.u32 $0x3, s31;
	s7 =	ssub.s32 $0x3, s7;
	s19 =	simm.s32 $0x200  }
0x50: {  	[tilespmem:s20], [sflag:$0x7] =	stream.indirect.gather.add.f32 [hbm:s0], $0x80, s19, s24, $0xb8;
	[tilespmem:$0x1AF40] =	vst v63  }
0x51: {  	s12 =	simm.s32 $0x268;
	s7 =	sshll.u32 s7, $0x18;
	_ =	swait.ge [sflag:s30], $0x3000  }
0x52: {  	s16 =	smul.u32 $0x19000, s13;
	s7 =	sshra.s32 s7, $0x18;
	[sflag:s30] =	ssyncset.done $0x0  }
0x53: {  	s18 =	simm.s32 $0x5;
	s25 =	sadd.s32 $0x1, s7;
	[sflag:s30] =	ssyncadd.s32 $0xFFFFD000  }
0x54: {  	s16 =	sshrl.u32 s16, $0x2;
	s19 =	simm.s32 $0x0;
	_ =	swait.ge [sflag:s30], $0x2C00  }
0x55: {  	s20 =	sadd.s32 $0x9, s13;
	s19 =	sand.u32 $0x3, s19;
	[sflag:s30] =	ssyncset.done $0x0  }
0x56: {  	s19 =	sadd.s32 $0x2, s19;
	s21 =	rddreg [dreg:$0x8];
	[sflag:s30] =	ssyncadd.s32 $0xFFFFD400  }
0x57: {  	[hbm4b:s21+s3] =	stream.linear.scatter [tilespmem:s8], [sflag:$0xA], $0x6400, $0x38;
	[tilespmem:$0x1AF40] =	vst v63  }
0x58: {  	s16 =	sadd.s32 $0x2100, s16;
	s19 =	sand.u32 $0xFC, s19;
	_ =	swait.ge [sflag:s20], $0x6400  }
0x59: {  	s13 =	sadd.s32 $0x1, s13;
	s19 =	ssub.s32 $0x2, s19;
	[sflag:s20] =	ssyncset.done $0x0  }
0x5a: {  	s5 =	sshll.u32 s19, $0x18;
	s21 =	smul.u32 $0x19000, s7;
	[sflag:s20] =	ssyncadd.s32 $0xFFFF9C00  }
0x5b: {  	[tilespmem:s16], [sflag:s13] =	stream.linear.gather [spmem:s6], $0x5C00, $0x38;
	[tilespmem:$0x1AF40] =	vst v63  }
0x5c: {  	s29 =	sadd.s32 $0x5, s7;
	s7 =	simm.s32 $0x330;
	s13 =	sshra.s32 s5, $0x18  }
0x5d: {  	s26 =	sshra.s32 s21, $0x2;
	_ =	swait.ge [sflag:s25], $0x5C00;
	s9 =	smul.u32 $0x19000, s13  }
0x5e: {  	s8 =	sadd.s32 $0x2100, s26;
	s21 =	sadd.s32 $0x5100, s26;
	[sflag:s25] =	ssyncset.done $0x0  }
0x5f: {  	s16 =	sadd.s32 $0xC80, s17;
	[sflag:s25] =	ssyncadd.s32 $0xFFFFA400;
	s26 =	sshra.s32 s9, $0x2  }
0x60: {  	[tilespmem:s8], [sflag:s29] =	stream.indirect.gather.add.f32 [hbm:s0], $0x80, s12, s22, $0xb8;
	[tilespmem:$0x1AF40] =	vst v63  }
0x61: {  	s28 =	sadd.s32 $0x5, s13;
	s20 =	sadd.s32 $0x1900, s26;
	s12 =	smov.u32 s17  }
.LBB2_2:
0x62: {  	s26 =	sadd.s32 $0xFFFFFFFF, s18;
	s5 =	sadd.s32 $0x60, s7  }
0x63: {  	s8 =	smov.u32 s18;
	s25 =	sadd.s32 $0x1, s18;
	s19 =	smov.u32 s7  }
0x64: {  	[tilespmem:s21], [sflag:s29] =	stream.indirect.gather.add.f32 [hbm:s0], $0x80, s11, s24, $0xb8;
	[tilespmem:$0x1AF40] =	vst v63  }
0x65: {  	p1 =	sne.s32 s18, $0x1F;
	s11 =	sshll.u32 s26, $0x18;
	_ =	swait.ge [sflag:s28], $0x3000  }
0x66: {  	s18 =	sshra.s32 s11, $0x1F;
	s11 =	smov.u32 s5;
	[sflag:s28] =	ssyncset.done $0x0  }
0x67: {  	s5 =	sand.u32 $0x3, s18;
	[sflag:s28] =	ssyncadd.s32 $0xFFFFD000  }
0x68: {  	s18 =	sand.u32 $0x3, s8;
	s5 =	sadd.s32 s5, s26;
	_ =	swait.ge [sflag:s28], $0x2C00  }
0x69: {  	s8 =	sadd.s32 $0xFFFFFFFE, s8;
	s29 =	sadd.s32 $0x9, s18;
	s5 =	sand.u32 $0xFC, s5  }
0x6a: {  	s21 =	sshll.u32 s8, $0x18;
	s5 =	ssub.s32 s26, s5;
	[sflag:s28] =	ssyncset.done $0x0  }
0x6b: {  	s26 =	smul.u32 $0x19000, s18;
	s5 =	sshll.u32 s5, $0x18;
	[sflag:s28] =	ssyncadd.s32 $0xFFFFD400  }
0x6c: {  	s13 =	sadd.s32 $0x9, s13;
	s21 =	sshra.s32 s21, $0x1F;
	s5 =	sshra.s32 s5, $0x18  }
0x6d: {  	s21 =	sand.u32 $0x3, s21;
	s26 =	sshrl.u32 s26, $0x2;
	s28 =	smul.u32 $0x19000, s5  }
0x6e: {  	[hbm4b:s12+s3] =	stream.linear.scatter [tilespmem:s20], [sflag:s13], $0x6400, $0x38;
	[tilespmem:$0x1AF40] =	vst v63  }
0x6f: {  	s20 =	sadd.s32 $0x2100, s26;
	s12 =	sshra.s32 s28, $0x2;
	s13 =	sadd.s32 s21, s8  }
0x70: {  	s26 =	sadd.s32 $0x2100, s12;
	s21 =	sadd.s32 $0x5100, s12;
	s12 =	sand.u32 $0xFC, s13  }
0x71: {  	s8 =	ssub.s32 s8, s12;
	s12 =	smov.u32 s16  }
0x72: {  	s18 =	sadd.s32 $0x1, s18;
	s8 =	sshll.u32 s8, $0x18;
	_ =	swait.ge [sflag:s29], $0x6400  }
0x73: {  	s9 =	sadd.s32 $0x1, s5;
	s13 =	sshra.s32 s8, $0x18;
	[sflag:s29] =	ssyncset.done $0x0  }
0x74: {  	s28 =	sadd.s32 $0x5, s13;
	s8 =	smul.u32 $0x19000, s13;
	[sflag:s29] =	ssyncadd.s32 $0xFFFF9C00  }
0x75: {  	[tilespmem:s20], [sflag:s18] =	stream.linear.gather [spmem:s6], $0x5C00, $0x38;
	[tilespmem:$0x1AF40] =	vst v63  }
.Ltmp0:
0x76: {  	_ = 	snop;
	(pc) =	sbr.rel @p1 .LBB2_2-.Ltmp0, $4  }
0x77: {  	s7 =	sadd.s32 $0xC8, s7;
	s8 =	sshra.s32 s8, $0x2;
	_ =	swait.ge [sflag:s9], $0x5C00  }
0x78: {  	s16 =	sadd.s32 $0xC80, s16;
	s20 =	sadd.s32 $0x1900, s8;
	[sflag:s9] =	ssyncset.done $0x0  }
0x79: {  	s29 =	sadd.s32 $0x5, s5;
	s18 =	smov.u32 s25;
	[sflag:s9] =	ssyncadd.s32 $0xFFFFA400  }
0x7a: {  	[tilespmem:s26], [sflag:s29] =	stream.indirect.gather.add.f32 [hbm:s0], $0x80, s19, s22, $0xb8;
	[tilespmem:$0x1AF40] =	vst v63  }
0x7b: {  	[tilespmem:s21], [sflag:s29] =	stream.indirect.gather.add.f32 [hbm:s0], $0x80, s11, s24, $0xb8;
	[tilespmem:$0x1AF40] =	vst v63  }
0x7c: {  	_ =	swait.ge [sflag:s28], $0x3000  }
0x7d: {  	[sflag:s28] =	ssyncset.done $0x0  }
0x7e: {  	[sflag:s28] =	ssyncadd.s32 $0xFFFFD000  }
0x7f: {  	_ =	swait.ge [sflag:s28], $0x2C00  }
0x80: {  	[sflag:s28] =	ssyncset.done $0x0  }
0x81: {  	s5 =	sadd.s32 $0x9, s13;
	[sflag:s28] =	ssyncadd.s32 $0xFFFFD400  }
0x82: {  	[hbm4b:s12+s3] =	stream.linear.scatter [tilespmem:s20], [sflag:s5], $0x6400, $0x38;
	[tilespmem:$0x1AF40] =	vst v63  }
0x83: {  	_ =	swait.ge [sflag:s31], $0x5C00  }
0x84: {  	[sflag:s31] =	ssyncset.done $0x0  }
0x85: {  	s18 =	simm.s32 $0x1848;
	s12 =	simm.s32 $0x14D00;
	[sflag:s31] =	ssyncadd.s32 $0xFFFFA400  }
0x86: {  	[tilespmem:s12], [sflag:$0x8] =	stream.indirect.gather.add.f32 [hbm:s0], $0x80, s18, s22, $0xb8;
	[tilespmem:$0x1AF40] =	vst v63  }
0x87: {  	s19 =	simm.s32 $0x18A8;
	s7 =	simm.s32 $0x17D00  }
0x88: {  	[tilespmem:s7], [sflag:$0x8] =	stream.indirect.gather.add.f32 [hbm:s0], $0x80, s19, s24, $0xb8;
	[tilespmem:$0x1AF40] =	vst v63  }
0x89: {  	_ =	swait.ge [sflag:s1], $0x3000  }
0x8a: {  	[sflag:s1] =	ssyncset.done $0x0  }
0x8b: {  	[sflag:s1] =	ssyncadd.s32 $0xFFFFD000  }
0x8c: {  	_ =	swait.ge [sflag:s1], $0x2C00  }
0x8d: {  	[sflag:s1] =	ssyncset.done $0x0  }
0x8e: {  	s9 =	simm.s32 $0xE100;
	s20 =	rddreg [dreg:$0x9];
	[sflag:s1] =	ssyncadd.s32 $0xFFFFD400  }
0x8f: {  	[hbm4b:s20+s3] =	stream.linear.scatter [tilespmem:s9], [sflag:$0xB], $0x6400, $0x38;
	[tilespmem:$0x1AF40] =	vst v63  }
0x90: {  	_ =	swait.ge [sflag:s4], $0x3000  }
0x91: {  	[sflag:s4] =	ssyncset.done $0x0  }
0x92: {  	[sflag:s4] =	ssyncadd.s32 $0xFFFFD000  }
0x93: {  	_ =	swait.ge [sflag:s4], $0x2C00  }
0x94: {  	s11 =	simm.s32 $0x14500;
	[sflag:s4] =	ssyncset.done $0x0  }
0x95: {  	s25 =	simm.s32 $0x9;
	s21 =	rddreg [dreg:$0xa];
	[sflag:s4] =	ssyncadd.s32 $0xFFFFD400  }
0x96: {  	[hbm4b:s21+s3] =	stream.linear.scatter [tilespmem:s11], [sflag:$0xC], $0x6400, $0x38;
	[tilespmem:$0x1AF40] =	vst v63  }
0x97: {  	_ =	swait.ge [sflag:s25], $0x6400  }
0x98: {  	[sflag:s25] =	ssyncset.done $0x0  }
0x99: {  	s26 =	simm.s32 $0xA;
	[sflag:s25] =	ssyncadd.s32 $0xFFFF9C00  }
0x9a: {  	_ =	swait.ge [sflag:s26], $0x6400  }
0x9b: {  	[sflag:s26] =	ssyncset.done $0x0  }
0x9c: {  	s28 =	simm.s32 $0xB;
	[sflag:s26] =	ssyncadd.s32 $0xFFFF9C00  }
0x9d: {  	_ =	swait.ge [sflag:s28], $0x6400  }
0x9e: {  	[sflag:s28] =	ssyncset.done $0x0  }
0x9f: {  	[sflag:s28] =	ssyncadd.s32 $0xFFFF9C00  }
0xa0: {  	_ =	swait.ge [sflag:s10], $0x6400  }
0xa1: {  	s15 =	sadd.s32 $0x1, s15;
	s29 =	rddreg [dreg:$0xb]  }
0xa2: {  	p1 =	sne.s32 s15, s29  }
.Ltmp1:
0xa3: {  	_ = 	snop;
	(pc) =	sbr.rel @p1 .LBB2_1-.Ltmp1, $3  }
0xa4: {  	_ =	sdelay $0x1  }
0xa5: {  	[sflag:s10] =	ssyncset.done $0x0  }
0xa6: {  	[sflag:s10] =	ssyncadd.s32 $0xFFFF9C00  }
0xa7: {  	_ =	sfence.sel $0x180000  }
0xa8: {  	[bflag:$0x0] =	sbarrier.arrive $0xFFFF  }
0xa9: {  	_ =	strace $0x90000047  }
0xaa: {  	[bflag:$0x2] =	sbarrier.arrive $0xFFFF  }
0xab: {  	s0 =	rddreg [dreg:$0x4]  }
0xac: {  	s0 =	sadd.s32 @!p0 $0x100000, s0  }
0xad: {  	[sflag:s0] =	ssyncadd.tile.s32 @!p0 $0x1;
	_ =	shalt  }
.Lfunc_end2:
_tile_overlayer_lowered:
.L_overlay_start_2:
0xae: {  	(tag) =	ssettag $0x2  }
0xaf: {  	s0 =	rddreg [dreg:$0x0];
	s2 =	stileid.u32  }
0xb0: {  	s1 =	rddreg [dreg:$0x1];
	p0 =	sne.s32 s2, $0x0  }
0xb1: {  	s3 =	rddreg [dreg:$0x2];
	[bflag:$0x3] =	sbarrier.arrive $0xFFFF;
	s2 =	simm.s32 @!p0 $0x1C0D  }
0xb2: {  	[timem:s3], [sflag:s2] =	dma.local @!p0 [hbm:s0], s1  }
0xb3: {  	s0 =	simm.s32 @!p0 $0xD  }
0xb4: {  	_ =	swait.ge @!p0 [sflag:s0], s1  }
0xb5: {  	s1 =	ssub.s32 @!p0 $0x0, s1;
	[sflag:s0] =	ssyncset.done @!p0 $0x0  }
0xb6: {  	[sflag:s0] =	ssyncadd.s32 @!p0 s1  }
0xb7: {  	[bflag:$0x3] =	sbarrier.arrive $0xFFFF  }
0xb8: {  	_ =	shalt  }

</sc_bundles>
